<compile_context>
chip_gen: v7x
topology: tpu7x:2x2x1
jax: 0.10.2.dev20260603
libtpu: 0.0.44.dev20260713+nightly
codegen_flags: <defaults>
</compile_context>

<pallas_src>
import functools

import jax
import jax.numpy as jnp
from jax import lax
from jax.experimental import pallas as pl
from jax.experimental.pallas import tpu as pltpu
from jax.experimental.pallas import tpu_sc as plsc

D = 128
C = 64
B = 4096
L = 50
NC, NS = 2, 16
NW = NC * NS
SPW = B // NW
NV = D // 16

_sc_mesh = plsc.VectorSubcoreMesh(core_axis_name="c", subcore_axis_name="s")


@functools.partial(
    pl.kernel,
    out_type=jax.ShapeDtypeStruct((B, D), jnp.float32),
    mesh=_sc_mesh,
    scratch_types=[
        pltpu.VMEM((SPW // 2, 2 * L), jnp.int32),
        pltpu.VMEM((4, 2 * L, D), jnp.float32),
        pltpu.VMEM((SPW, D), jnp.float32),
        pltpu.SemaphoreType.DMA,
        pltpu.SemaphoreType.DMA,
        pltpu.SemaphoreType.DMA,
        pltpu.SemaphoreType.DMA,
    ],
)
def _sc_pool(idx_hbm, table_hbm, out_hbm, idx_v, rows_v, out_v,
             sem0, sem1, sem2, sem3):
    wid = lax.axis_index("s") * NC + lax.axis_index("c")
    nch = SPW // 2
    sems = (sem0, sem1, sem2, sem3)
    nbuf = 4

    pltpu.sync_copy(idx_hbm.at[pl.ds(wid * nch, nch)], idx_v)

    for bf in range(nbuf):
        pltpu.async_copy(table_hbm.at[idx_v.at[bf]], rows_v.at[bf], sems[bf])

    def body(g, carry):
        for bf in range(nbuf):
            c = nbuf * g + bf
            pltpu.make_async_copy(
                table_hbm.at[idx_v.at[0]], rows_v.at[bf], sems[bf]
            ).wait()
            for h in range(2):
                r0 = h * L

                def rbody(r, accs):
                    return tuple(
                        accs[d] + rows_v[bf, r, pl.ds(16 * d, 16)]
                        for d in range(NV)
                    )

                accs0 = tuple(
                    rows_v[bf, r0, pl.ds(16 * d, 16)] for d in range(NV)
                )
                accs = lax.fori_loop(r0 + 1, r0 + L, rbody, accs0)
                for d in range(NV):
                    out_v[2 * c + h, pl.ds(16 * d, 16)] = accs[d]

            nxt = c + nbuf

            @pl.when(nxt < nch)
            def _():
                pltpu.async_copy(table_hbm.at[idx_v.at[nxt]], rows_v.at[bf], sems[bf])

        return carry

    lax.fori_loop(0, nch // nbuf, body, 0)
    pltpu.sync_copy(out_v, out_hbm.at[pl.ds(wid * SPW, SPW)])


def _head_body(x_ref, w_ref, b_ref, o_ref):
    logits = lax.dot_general(
        x_ref[...], w_ref[...], (((1,), (1,)), ((), ())),
        preferred_element_type=jnp.float32,
    ) + b_ref[...]
    m = jnp.max(logits, axis=-1, keepdims=True)
    shifted = logits - m
    denom = jnp.sum(jnp.exp(shifted), axis=-1, keepdims=True)
    o_ref[...] = shifted - jnp.log(denom)


def _tc_head(pooled, W, b2):
    g = 1
    bb = B // g
    return pl.pallas_call(
        _head_body,
        grid=(g,),
        in_specs=[
            pl.BlockSpec((bb, D), lambda i: (i, 0)),
            pl.BlockSpec((C, D), lambda i: (0, 0)),
            pl.BlockSpec((1, C), lambda i: (0, 0)),
        ],
        out_specs=pl.BlockSpec((bb, C), lambda i: (i, 0)),
        out_shape=jax.ShapeDtypeStruct((B, C), jnp.float32),
    )(pooled, W, b2)


def kernel(inputs, table, W, b):
    idx = inputs.astype(jnp.int32).reshape(B // 2, 2 * L)
    pooled = _sc_pool(idx, table)
    return _tc_head(pooled, W, b.reshape(1, C))

# --- scband reference (transcript-rebuilt; emitter-appended) ---
"""Pipeline reference for scband-classify-sentence-38989713113488 (READ-ONLY COPY).

The authoritative reference and input builder live on the scoring server;
editing this copy changes nothing except your own understanding.
"""

import jax, jax.numpy as jnp
import numpy as np

VOCAB = 100000
EMBED_DIM = 128
NUM_CLASSES = 64
B = 4096
L = 50

def setup_inputs(seed: int = 0) -> dict:
    key = jax.random.key(seed)
    k1, k2, k3, k4 = jax.random.split(key, 4)
    inputs = jax.random.randint(k1, (B, L), 0, VOCAB, dtype=jnp.int64)
    table = jax.random.normal(k2, (VOCAB, EMBED_DIM), dtype=jnp.float32) * 0.02
    # padding_idx=0: the padding row is zeroed
    table = table.at[0].set(0.0)
    W = jax.random.normal(k3, (NUM_CLASSES, EMBED_DIM), dtype=jnp.float32) * (1.0 / np.sqrt(EMBED_DIM))
    b = jax.random.normal(k4, (NUM_CLASSES,), dtype=jnp.float32) * 0.01
    return {"inputs": inputs, "table": table, "W": W, "b": b}

def reference(inputs, table, W, b):
    # nn.Embedding lookup (padding_idx handled via zeroed row in table)
    emb = jnp.take(table, inputs, axis=0)            # [B, L, D]
    summed = jnp.sum(emb, axis=1)                    # [B, D]
    # Note: dropout layer self.l1 is defined but NOT used in forward
    logits = summed @ W.T + b                        # [B, num_classes]
    out = jax.nn.log_softmax(logits, axis=-1)
    return out

if __name__ == "__main__":
    import jax
    _d = setup_inputs()
    print(jax.jit(kernel)(*tuple(_d.values())))

</pallas_src>

<mosaic_0001>
#map = affine_map<(d0, d1) -> (0, 0)>
module attributes {stable_mosaic.version = 14 : i64} {
  func.func @_sc_pool(%arg0: i32, %arg1: i32, %arg2: memref<2048x100xi32, #tpu.memory_space<hbm>>, %arg3: memref<100000x128xf32, #tpu.memory_space<hbm>>, %arg4: memref<4096x128xf32, #tpu.memory_space<hbm>>, %arg5: memref<64x100xi32, #tpu.memory_space<vmem>>, %arg6: memref<4x100x128xf32, #tpu.memory_space<vmem>>, %arg7: memref<128x128xf32, #tpu.memory_space<vmem>>, %arg8: memref<!tpu.dma_semaphore, #tpu.memory_space<semaphore_mem>>, %arg9: memref<!tpu.dma_semaphore, #tpu.memory_space<semaphore_mem>>, %arg10: memref<!tpu.dma_semaphore, #tpu.memory_space<semaphore_mem>>, %arg11: memref<!tpu.dma_semaphore, #tpu.memory_space<semaphore_mem>>) attributes {dimension_semantics = [#tpu.dimension_semantics<core_parallel>, #tpu.dimension_semantics<subcore_parallel>], iteration_bounds = array<i64: 2, 16>, scalar_prefetch = 0 : i64, scratch_operands = 7 : i64, tpu.core_type = #tpu.core_type<sc_vector_subcore>, window_params = [{transform_indices = #map}, {transform_indices = #map}, {transform_indices = #map}]} {
    %mul3A = arith.constant 2 : i32
    %mul3A_0 = arith.muli %arg1, %mul3A : i32
    %add3A = arith.addi %mul3A_0, %arg0 : i32
    %mul3A_1 = arith.constant 64 : i32
    %mul3A_2 = arith.muli %add3A, %mul3A_1 : i32
    "tpu.region"() ({
      %run_scoped3A = tpu.sem_alloc : memref<!tpu.dma_semaphore, #tpu.memory_space<semaphore_mem>>
      %dma_start3A_57 = arith.constant 0 : i32
      %dma_start3A_58 = tpu.memref_slice %arg2[%mul3A_2, %dma_start3A_57] : memref<2048x100xi32, #tpu.memory_space<hbm>> -> memref<64x100xi32, #tpu.memory_space<hbm>>
      %dma_start3A_59 = arith.constant 0 : i32
      %dma_start3A_60 = tpu.memref_slice %arg2[%mul3A_2, %dma_start3A_59] : memref<2048x100xi32, #tpu.memory_space<hbm>> -> memref<64x100xi32, #tpu.memory_space<hbm>>
      tpu.enqueue_dma source(%dma_start3A_60 : memref<64x100xi32, #tpu.memory_space<hbm>>) target(%arg5 : memref<64x100xi32, #tpu.memory_space<vmem>>) target_semaphore(%run_scoped3A : memref<!tpu.dma_semaphore, #tpu.memory_space<semaphore_mem>>)
      %dma_wait3A = arith.constant 0 : i32
      %dma_wait3A_61 = tpu.memref_slice %arg2[%mul3A_2, %dma_wait3A] : memref<2048x100xi32, #tpu.memory_space<hbm>> -> memref<64x100xi32, #tpu.memory_space<hbm>>
      %dma_wait3A_62 = arith.constant 0 : i32
      %dma_wait3A_63 = tpu.memref_slice %arg2[%mul3A_2, %dma_wait3A_62] : memref<2048x100xi32, #tpu.memory_space<hbm>> -> memref<64x100xi32, #tpu.memory_space<hbm>>
      tpu.wait_dma2 semaphore(%run_scoped3A : memref<!tpu.dma_semaphore, #tpu.memory_space<semaphore_mem>>) src(%dma_wait3A_63 : memref<64x100xi32, #tpu.memory_space<hbm>>) dst(%arg5 : memref<64x100xi32, #tpu.memory_space<vmem>>)
      tpu.yield
    }) : () -> ()
    %dma_start3A = arith.constant 0 : i32
    %dma_start3A_3 = arith.constant 0 : i32
    %dma_start3A_4 = arith.constant 0 : i32
    %dma_start3A_5 = arith.constant 0 : i32
    %dma_start3A_6 = tpu.memref_slice %arg6[%dma_start3A_3, %dma_start3A_4, %dma_start3A_5] : memref<4x100x128xf32, #tpu.memory_space<vmem>> -> memref<1x100x128xf32, #tpu.memory_space<vmem>>
    %dma_start3A_7 = tpu.memref_squeeze %dma_start3A_6 : memref<1x100x128xf32, #tpu.memory_space<vmem>> -> memref<100x128xf32, #tpu.memory_space<vmem>>
    %dma_start3A_8 = arith.constant 0 : i32
    %dma_start3A_9 = tpu.memref_slice %arg5[%dma_start3A, %dma_start3A_8] : memref<64x100xi32, #tpu.memory_space<vmem>> -> memref<1x100xi32, #tpu.memory_space<vmem>>
    %dma_start3A_10 = tpu.memref_squeeze %dma_start3A_9 : memref<1x100xi32, #tpu.memory_space<vmem>> -> memref<100xi32, #tpu.memory_space<vmem>>
    %dma_start3A_11 = arith.constant 0 : i32
    %dma_start3A_12 = arith.constant 0 : i32
    %dma_start3A_13 = tpu.memref_slice %arg3[%dma_start3A_11, %dma_start3A_12] : memref<100000x128xf32, #tpu.memory_space<hbm>> -> memref<100000x128xf32, #tpu.memory_space<hbm>>
    tpu.enqueue_indirect_dma source(%dma_start3A_13 : memref<100000x128xf32, #tpu.memory_space<hbm>>) target(%dma_start3A_7 : memref<100x128xf32, #tpu.memory_space<vmem>>) offsets(%dma_start3A_10 : memref<100xi32, #tpu.memory_space<vmem>>) semaphore(%arg8 : memref<!tpu.dma_semaphore, #tpu.memory_space<semaphore_mem>>)
    %dma_start3A_14 = arith.constant 1 : i32
    %dma_start3A_15 = arith.constant 1 : i32
    %dma_start3A_16 = arith.constant 0 : i32
    %dma_start3A_17 = arith.constant 0 : i32
    %dma_start3A_18 = tpu.memref_slice %arg6[%dma_start3A_15, %dma_start3A_16, %dma_start3A_17] : memref<4x100x128xf32, #tpu.memory_space<vmem>> -> memref<1x100x128xf32, #tpu.memory_space<vmem>>
    %dma_start3A_19 = tpu.memref_squeeze %dma_start3A_18 : memref<1x100x128xf32, #tpu.memory_space<vmem>> -> memref<100x128xf32, #tpu.memory_space<vmem>>
    %dma_start3A_20 = arith.constant 0 : i32
    %dma_start3A_21 = tpu.memref_slice %arg5[%dma_start3A_14, %dma_start3A_20] : memref<64x100xi32, #tpu.memory_space<vmem>> -> memref<1x100xi32, #tpu.memory_space<vmem>>
    %dma_start3A_22 = tpu.memref_squeeze %dma_start3A_21 : memref<1x100xi32, #tpu.memory_space<vmem>> -> memref<100xi32, #tpu.memory_space<vmem>>
    %dma_start3A_23 = arith.constant 0 : i32
    %dma_start3A_24 = arith.constant 0 : i32
    %dma_start3A_25 = tpu.memref_slice %arg3[%dma_start3A_23, %dma_start3A_24] : memref<100000x128xf32, #tpu.memory_space<hbm>> -> memref<100000x128xf32, #tpu.memory_space<hbm>>
    tpu.enqueue_indirect_dma source(%dma_start3A_25 : memref<100000x128xf32, #tpu.memory_space<hbm>>) target(%dma_start3A_19 : memref<100x128xf32, #tpu.memory_space<vmem>>) offsets(%dma_start3A_22 : memref<100xi32, #tpu.memory_space<vmem>>) semaphore(%arg9 : memref<!tpu.dma_semaphore, #tpu.memory_space<semaphore_mem>>)
    %dma_start3A_26 = arith.constant 2 : i32
    %dma_start3A_27 = arith.constant 2 : i32
    %dma_start3A_28 = arith.constant 0 : i32
    %dma_start3A_29 = arith.constant 0 : i32
    %dma_start3A_30 = tpu.memref_slice %arg6[%dma_start3A_27, %dma_start3A_28, %dma_start3A_29] : memref<4x100x128xf32, #tpu.memory_space<vmem>> -> memref<1x100x128xf32, #tpu.memory_space<vmem>>
    %dma_start3A_31 = tpu.memref_squeeze %dma_start3A_30 : memref<1x100x128xf32, #tpu.memory_space<vmem>> -> memref<100x128xf32, #tpu.memory_space<vmem>>
    %dma_start3A_32 = arith.constant 0 : i32
    %dma_start3A_33 = tpu.memref_slice %arg5[%dma_start3A_26, %dma_start3A_32] : memref<64x100xi32, #tpu.memory_space<vmem>> -> memref<1x100xi32, #tpu.memory_space<vmem>>
    %dma_start3A_34 = tpu.memref_squeeze %dma_start3A_33 : memref<1x100xi32, #tpu.memory_space<vmem>> -> memref<100xi32, #tpu.memory_space<vmem>>
    %dma_start3A_35 = arith.constant 0 : i32
    %dma_start3A_36 = arith.constant 0 : i32
    %dma_start3A_37 = tpu.memref_slice %arg3[%dma_start3A_35, %dma_start3A_36] : memref<100000x128xf32, #tpu.memory_space<hbm>> -> memref<100000x128xf32, #tpu.memory_space<hbm>>
    tpu.enqueue_indirect_dma source(%dma_start3A_37 : memref<100000x128xf32, #tpu.memory_space<hbm>>) target(%dma_start3A_31 : memref<100x128xf32, #tpu.memory_space<vmem>>) offsets(%dma_start3A_34 : memref<100xi32, #tpu.memory_space<vmem>>) semaphore(%arg10 : memref<!tpu.dma_semaphore, #tpu.memory_space<semaphore_mem>>)
    %dma_start3A_38 = arith.constant 3 : i32
    %dma_start3A_39 = arith.constant 3 : i32
    %dma_start3A_40 = arith.constant 0 : i32
    %dma_start3A_41 = arith.constant 0 : i32
    %dma_start3A_42 = tpu.memref_slice %arg6[%dma_start3A_39, %dma_start3A_40, %dma_start3A_41] : memref<4x100x128xf32, #tpu.memory_space<vmem>> -> memref<1x100x128xf32, #tpu.memory_space<vmem>>
    %dma_start3A_43 = tpu.memref_squeeze %dma_start3A_42 : memref<1x100x128xf32, #tpu.memory_space<vmem>> -> memref<100x128xf32, #tpu.memory_space<vmem>>
    %dma_start3A_44 = arith.constant 0 : i32
    %dma_start3A_45 = tpu.memref_slice %arg5[%dma_start3A_38, %dma_start3A_44] : memref<64x100xi32, #tpu.memory_space<vmem>> -> memref<1x100xi32, #tpu.memory_space<vmem>>
    %dma_start3A_46 = tpu.memref_squeeze %dma_start3A_45 : memref<1x100xi32, #tpu.memory_space<vmem>> -> memref<100xi32, #tpu.memory_space<vmem>>
    %dma_start3A_47 = arith.constant 0 : i32
    %dma_start3A_48 = arith.constant 0 : i32
    %dma_start3A_49 = tpu.memref_slice %arg3[%dma_start3A_47, %dma_start3A_48] : memref<100000x128xf32, #tpu.memory_space<hbm>> -> memref<100000x128xf32, #tpu.memory_space<hbm>>
    tpu.enqueue_indirect_dma source(%dma_start3A_49 : memref<100000x128xf32, #tpu.memory_space<hbm>>) target(%dma_start3A_43 : memref<100x128xf32, #tpu.memory_space<vmem>>) offsets(%dma_start3A_46 : memref<100xi32, #tpu.memory_space<vmem>>) semaphore(%arg11 : memref<!tpu.dma_semaphore, #tpu.memory_space<semaphore_mem>>)
    %scan3A = arith.constant 0 : i32
    %scan3A_50 = arith.constant 0 : i32
    %scan3A_51 = arith.constant 16 : i32
    %scan3A_52 = arith.addi %scan3A_50, %scan3A_51 : i32
    %scan3A_53 = arith.constant 1 : i32
    scf.for %scan3A_57 = %scan3A_50 to %scan3A_52 step %scan3A_53  : i32 {
      %mul3A_58 = arith.constant 4 : i32
      %mul3A_59 = arith.muli %mul3A_58, %scan3A_57 : i32
      %add3A_60 = arith.constant 0 : i32
      %add3A_61 = arith.addi %mul3A_59, %add3A_60 : i32
      %dma_wait3A = arith.constant 0 : i32
      %dma_wait3A_62 = arith.constant 0 : i32
      %dma_wait3A_63 = arith.constant 0 : i32
      %dma_wait3A_64 = arith.constant 0 : i32
      %dma_wait3A_65 = tpu.memref_slice %arg6[%dma_wait3A_62, %dma_wait3A_63, %dma_wait3A_64] : memref<4x100x128xf32, #tpu.memory_space<vmem>> -> memref<1x100x128xf32, #tpu.memory_space<vmem>>
      %dma_wait3A_66 = tpu.memref_squeeze %dma_wait3A_65 : memref<1x100x128xf32, #tpu.memory_space<vmem>> -> memref<100x128xf32, #tpu.memory_space<vmem>>
      %dma_wait3A_67 = arith.constant 0 : i32
      %dma_wait3A_68 = tpu.memref_slice %arg5[%dma_wait3A, %dma_wait3A_67] : memref<64x100xi32, #tpu.memory_space<vmem>> -> memref<1x100xi32, #tpu.memory_space<vmem>>
      %dma_wait3A_69 = tpu.memref_squeeze %dma_wait3A_68 : memref<1x100xi32, #tpu.memory_space<vmem>> -> memref<100xi32, #tpu.memory_space<vmem>>
      %dma_wait3A_70 = arith.constant 0 : i32
      %dma_wait3A_71 = arith.constant 0 : i32
      %dma_wait3A_72 = tpu.memref_slice %arg3[%dma_wait3A_70, %dma_wait3A_71] : memref<100000x128xf32, #tpu.memory_space<hbm>> -> memref<100000x128xf32, #tpu.memory_space<hbm>>
      tpu.wait_indirect_dma semaphore(%arg8 : memref<!tpu.dma_semaphore, #tpu.memory_space<semaphore_mem>>) src(%dma_wait3A_72 : memref<100000x128xf32, #tpu.memory_space<hbm>>) dst(%dma_wait3A_66 : memref<100x128xf32, #tpu.memory_space<vmem>>)
      %get3A = arith.constant 0 : i32
      %get3A_73 = arith.constant 0 : i32
      %get3A_74 = arith.index_cast %get3A : i32 to index
      %get3A_75 = arith.index_cast %get3A_73 : i32 to index
      %get3A_76 = arith.constant 0 : index
      %get3A_77 = tpu.vector_load %arg6[%get3A_74, %get3A_75, %get3A_76] {strides = array<i32>} : memref<4x100x128xf32, #tpu.memory_space<vmem>>, vector<1x1x16xf32>,
      %get3A_78 = vector.shape_cast %get3A_77 : vector<1x1x16xf32> to vector<16xf32>
      %get3A_79 = arith.constant 0 : i32
      %get3A_80 = arith.constant 0 : i32
      %get3A_81 = arith.index_cast %get3A_79 : i32 to index
      %get3A_82 = arith.index_cast %get3A_80 : i32 to index
      %get3A_83 = arith.constant 16 : index
      %get3A_84 = tpu.vector_load %arg6[%get3A_81, %get3A_82, %get3A_83] {strides = array<i32>} : memref<4x100x128xf32, #tpu.memory_space<vmem>>, vector<1x1x16xf32>,
      %get3A_85 = vector.shape_cast %get3A_84 : vector<1x1x16xf32> to vector<16xf32>
      %get3A_86 = arith.constant 0 : i32
      %get3A_87 = arith.constant 0 : i32
      %get3A_88 = arith.index_cast %get3A_86 : i32 to index
      %get3A_89 = arith.index_cast %get3A_87 : i32 to index
      %get3A_90 = arith.constant 32 : index
      %get3A_91 = tpu.vector_load %arg6[%get3A_88, %get3A_89, %get3A_90] {strides = array<i32>} : memref<4x100x128xf32, #tpu.memory_space<vmem>>, vector<1x1x16xf32>,
      %get3A_92 = vector.shape_cast %get3A_91 : vector<1x1x16xf32> to vector<16xf32>
      %get3A_93 = arith.constant 0 : i32
      %get3A_94 = arith.constant 0 : i32
      %get3A_95 = arith.index_cast %get3A_93 : i32 to index
      %get3A_96 = arith.index_cast %get3A_94 : i32 to index
      %get3A_97 = arith.constant 48 : index
      %get3A_98 = tpu.vector_load %arg6[%get3A_95, %get3A_96, %get3A_97] {strides = array<i32>} : memref<4x100x128xf32, #tpu.memory_space<vmem>>, vector<1x1x16xf32>,
      %get3A_99 = vector.shape_cast %get3A_98 : vector<1x1x16xf32> to vector<16xf32>
      %get3A_100 = arith.constant 0 : i32
      %get3A_101 = arith.constant 0 : i32
      %get3A_102 = arith.index_cast %get3A_100 : i32 to index
      %get3A_103 = arith.index_cast %get3A_101 : i32 to index
      %get3A_104 = arith.constant 64 : index
      %get3A_105 = tpu.vector_load %arg6[%get3A_102, %get3A_103, %get3A_104] {strides = array<i32>} : memref<4x100x128xf32, #tpu.memory_space<vmem>>, vector<1x1x16xf32>,
      %get3A_106 = vector.shape_cast %get3A_105 : vector<1x1x16xf32> to vector<16xf32>
      %get3A_107 = arith.constant 0 : i32
      %get3A_108 = arith.constant 0 : i32
      %get3A_109 = arith.index_cast %get3A_107 : i32 to index
      %get3A_110 = arith.index_cast %get3A_108 : i32 to index
      %get3A_111 = arith.constant 80 : index
      %get3A_112 = tpu.vector_load %arg6[%get3A_109, %get3A_110, %get3A_111] {strides = array<i32>} : memref<4x100x128xf32, #tpu.memory_space<vmem>>, vector<1x1x16xf32>,
      %get3A_113 = vector.shape_cast %get3A_112 : vector<1x1x16xf32> to vector<16xf32>
      %get3A_114 = arith.constant 0 : i32
      %get3A_115 = arith.constant 0 : i32
      %get3A_116 = arith.index_cast %get3A_114 : i32 to index
      %get3A_117 = arith.index_cast %get3A_115 : i32 to index
      %get3A_118 = arith.constant 96 : index
      %get3A_119 = tpu.vector_load %arg6[%get3A_116, %get3A_117, %get3A_118] {strides = array<i32>} : memref<4x100x128xf32, #tpu.memory_space<vmem>>, vector<1x1x16xf32>,
      %get3A_120 = vector.shape_cast %get3A_119 : vector<1x1x16xf32> to vector<16xf32>
      %get3A_121 = arith.constant 0 : i32
      %get3A_122 = arith.constant 0 : i32
      %get3A_123 = arith.index_cast %get3A_121 : i32 to index
      %get3A_124 = arith.index_cast %get3A_122 : i32 to index
      %get3A_125 = arith.constant 112 : index
      %get3A_126 = tpu.vector_load %arg6[%get3A_123, %get3A_124, %get3A_125] {strides = array<i32>} : memref<4x100x128xf32, #tpu.memory_space<vmem>>, vector<1x1x16xf32>,
      %get3A_127 = vector.shape_cast %get3A_126 : vector<1x1x16xf32> to vector<16xf32>
      %scan3A_128 = arith.constant 1 : i32
      %scan3A_129 = arith.constant 49 : i32
      %scan3A_130 = arith.addi %scan3A_128, %scan3A_129 : i32
      %scan3A_131 = arith.constant 1 : i32
      %scan3A_132:8 = scf.for %scan3A_1216 = %scan3A_128 to %scan3A_130 step %scan3A_131 iter_args(%scan3A_1217 = %get3A_78, %scan3A_1218 = %get3A_85, %scan3A_1219 = %get3A_92, %scan3A_1220 = %get3A_99, %scan3A_1221 = %get3A_106, %scan3A_1222 = %get3A_113, %scan3A_1223 = %get3A_120, %scan3A_1224 = %get3A_127) -> (vector<16xf32>, vector<16xf32>, vector<16xf32>, vector<16xf32>, vector<16xf32>, vector<16xf32>, vector<16xf32>, vector<16xf32>)  : i32 {
        %get3A_1225 = arith.constant 0 : i32
        %get3A_1226 = arith.index_cast %get3A_1225 : i32 to index
        %get3A_1227 = arith.index_cast %scan3A_1216 : i32 to index
        %get3A_1228 = arith.constant 0 : index
        %get3A_1229 = tpu.vector_load %arg6[%get3A_1226, %get3A_1227, %get3A_1228] {strides = array<i32>} : memref<4x100x128xf32, #tpu.memory_space<vmem>>, vector<1x1x16xf32>,
        %get3A_1230 = vector.shape_cast %get3A_1229 : vector<1x1x16xf32> to vector<16xf32>
        %add3A_1231 = arith.addf %scan3A_1217, %get3A_1230 : vector<16xf32>
        %get3A_1232 = arith.constant 0 : i32
        %get3A_1233 = arith.index_cast %get3A_1232 : i32 to index
        %get3A_1234 = arith.index_cast %scan3A_1216 : i32 to index
        %get3A_1235 = arith.constant 16 : index
        %get3A_1236 = tpu.vector_load %arg6[%get3A_1233, %get3A_1234, %get3A_1235] {strides = array<i32>} : memref<4x100x128xf32, #tpu.memory_space<vmem>>, vector<1x1x16xf32>,
        %get3A_1237 = vector.shape_cast %get3A_1236 : vector<1x1x16xf32> to vector<16xf32>
        %add3A_1238 = arith.addf %scan3A_1218, %get3A_1237 : vector<16xf32>
        %get3A_1239 = arith.constant 0 : i32
        %get3A_1240 = arith.index_cast %get3A_1239 : i32 to index
        %get3A_1241 = arith.index_cast %scan3A_1216 : i32 to index
        %get3A_1242 = arith.constant 32 : index
        %get3A_1243 = tpu.vector_load %arg6[%get3A_1240, %get3A_1241, %get3A_1242] {strides = array<i32>} : memref<4x100x128xf32, #tpu.memory_space<vmem>>, vector<1x1x16xf32>,
        %get3A_1244 = vector.shape_cast %get3A_1243 : vector<1x1x16xf32> to vector<16xf32>
        %add3A_1245 = arith.addf %scan3A_1219, %get3A_1244 : vector<16xf32>
        %get3A_1246 = arith.constant 0 : i32
        %get3A_1247 = arith.index_cast %get3A_1246 : i32 to index
        %get3A_1248 = arith.index_cast %scan3A_1216 : i32 to index
        %get3A_1249 = arith.constant 48 : index
        %get3A_1250 = tpu.vector_load %arg6[%get3A_1247, %get3A_1248, %get3A_1249] {strides = array<i32>} : memref<4x100x128xf32, #tpu.memory_space<vmem>>, vector<1x1x16xf32>,
        %get3A_1251 = vector.shape_cast %get3A_1250 : vector<1x1x16xf32> to vector<16xf32>
        %add3A_1252 = arith.addf %scan3A_1220, %get3A_1251 : vector<16xf32>
        %get3A_1253 = arith.constant 0 : i32
        %get3A_1254 = arith.index_cast %get3A_1253 : i32 to index
        %get3A_1255 = arith.index_cast %scan3A_1216 : i32 to index
        %get3A_1256 = arith.constant 64 : index
        %get3A_1257 = tpu.vector_load %arg6[%get3A_1254, %get3A_1255, %get3A_1256] {strides = array<i32>} : memref<4x100x128xf32, #tpu.memory_space<vmem>>, vector<1x1x16xf32>,
        %get3A_1258 = vector.shape_cast %get3A_1257 : vector<1x1x16xf32> to vector<16xf32>
        %add3A_1259 = arith.addf %scan3A_1221, %get3A_1258 : vector<16xf32>
        %get3A_1260 = arith.constant 0 : i32
        %get3A_1261 = arith.index_cast %get3A_1260 : i32 to index
        %get3A_1262 = arith.index_cast %scan3A_1216 : i32 to index
        %get3A_1263 = arith.constant 80 : index
        %get3A_1264 = tpu.vector_load %arg6[%get3A_1261, %get3A_1262, %get3A_1263] {strides = array<i32>} : memref<4x100x128xf32, #tpu.memory_space<vmem>>, vector<1x1x16xf32>,
        %get3A_1265 = vector.shape_cast %get3A_1264 : vector<1x1x16xf32> to vector<16xf32>
        %add3A_1266 = arith.addf %scan3A_1222, %get3A_1265 : vector<16xf32>
        %get3A_1267 = arith.constant 0 : i32
        %get3A_1268 = arith.index_cast %get3A_1267 : i32 to index
        %get3A_1269 = arith.index_cast %scan3A_1216 : i32 to index
        %get3A_1270 = arith.constant 96 : index
        %get3A_1271 = tpu.vector_load %arg6[%get3A_1268, %get3A_1269, %get3A_1270] {strides = array<i32>} : memref<4x100x128xf32, #tpu.memory_space<vmem>>, vector<1x1x16xf32>,
        %get3A_1272 = vector.shape_cast %get3A_1271 : vector<1x1x16xf32> to vector<16xf32>
        %add3A_1273 = arith.addf %scan3A_1223, %get3A_1272 : vector<16xf32>
        %get3A_1274 = arith.constant 0 : i32
        %get3A_1275 = arith.index_cast %get3A_1274 : i32 to index
        %get3A_1276 = arith.index_cast %scan3A_1216 : i32 to index
        %get3A_1277 = arith.constant 112 : index
        %get3A_1278 = tpu.vector_load %arg6[%get3A_1275, %get3A_1276, %get3A_1277] {strides = array<i32>} : memref<4x100x128xf32, #tpu.memory_space<vmem>>, vector<1x1x16xf32>,
        %get3A_1279 = vector.shape_cast %get3A_1278 : vector<1x1x16xf32> to vector<16xf32>
        %add3A_1280 = arith.addf %scan3A_1224, %get3A_1279 : vector<16xf32>
        scf.yield %add3A_1231, %add3A_1238, %add3A_1245, %add3A_1252, %add3A_1259, %add3A_1266, %add3A_1273, %add3A_1280 : vector<16xf32>, vector<16xf32>, vector<16xf32>, vector<16xf32>, vector<16xf32>, vector<16xf32>, vector<16xf32>, vector<16xf32>
      }
      %scan3A_133 = arith.constant 49 : i32
      %mul3A_134 = arith.constant 2 : i32
      %mul3A_135 = arith.muli %mul3A_134, %add3A_61 : i32
      %add3A_136 = arith.constant 0 : i32
      %add3A_137 = arith.addi %mul3A_135, %add3A_136 : i32
      %swap3A = arith.index_cast %add3A_137 : i32 to index
      %swap3A_138 = arith.constant 0 : index
      %swap3A_139 = tpu.vector_load %arg7[%swap3A, %swap3A_138] {strides = array<i32>} : memref<128x128xf32, #tpu.memory_space<vmem>>, vector<1x16xf32>,
      %swap3A_140 = vector.shape_cast %swap3A_139 : vector<1x16xf32> to vector<16xf32>
      %swap3A_141 = vector.shape_cast %scan3A_132#0 : vector<16xf32> to vector<1x16xf32>
      tpu.vector_store %arg7[%swap3A, %swap3A_138], %swap3A_141 {strides = array<i32>} : memref<128x128xf32, #tpu.memory_space<vmem>>, vector<1x16xf32>,
      %mul3A_142 = arith.constant 2 : i32
      %mul3A_143 = arith.muli %mul3A_142, %add3A_61 : i32
      %add3A_144 = arith.constant 0 : i32
      %add3A_145 = arith.addi %mul3A_143, %add3A_144 : i32
      %swap3A_146 = arith.index_cast %add3A_145 : i32 to index
      %swap3A_147 = arith.constant 16 : index
      %swap3A_148 = tpu.vector_load %arg7[%swap3A_146, %swap3A_147] {strides = array<i32>} : memref<128x128xf32, #tpu.memory_space<vmem>>, vector<1x16xf32>,
      %swap3A_149 = vector.shape_cast %swap3A_148 : vector<1x16xf32> to vector<16xf32>
      %swap3A_150 = vector.shape_cast %scan3A_132#1 : vector<16xf32> to vector<1x16xf32>
      tpu.vector_store %arg7[%swap3A_146, %swap3A_147], %swap3A_150 {strides = array<i32>} : memref<128x128xf32, #tpu.memory_space<vmem>>, vector<1x16xf32>,
      %mul3A_151 = arith.constant 2 : i32
      %mul3A_152 = arith.muli %mul3A_151, %add3A_61 : i32
      %add3A_153 = arith.constant 0 : i32
      %add3A_154 = arith.addi %mul3A_152, %add3A_153 : i32
      %swap3A_155 = arith.index_cast %add3A_154 : i32 to index
      %swap3A_156 = arith.constant 32 : index
      %swap3A_157 = tpu.vector_load %arg7[%swap3A_155, %swap3A_156] {strides = array<i32>} : memref<128x128xf32, #tpu.memory_space<vmem>>, vector<1x16xf32>,
      %swap3A_158 = vector.shape_cast %swap3A_157 : vector<1x16xf32> to vector<16xf32>
      %swap3A_159 = vector.shape_cast %scan3A_132#2 : vector<16xf32> to vector<1x16xf32>
      tpu.vector_store %arg7[%swap3A_155, %swap3A_156], %swap3A_159 {strides = array<i32>} : memref<128x128xf32, #tpu.memory_space<vmem>>, vector<1x16xf32>,
      %mul3A_160 = arith.constant 2 : i32
      %mul3A_161 = arith.muli %mul3A_160, %add3A_61 : i32
      %add3A_162 = arith.constant 0 : i32
      %add3A_163 = arith.addi %mul3A_161, %add3A_162 : i32
      %swap3A_164 = arith.index_cast %add3A_163 : i32 to index
      %swap3A_165 = arith.constant 48 : index
      %swap3A_166 = tpu.vector_load %arg7[%swap3A_164, %swap3A_165] {strides = array<i32>} : memref<128x128xf32, #tpu.memory_space<vmem>>, vector<1x16xf32>,
      %swap3A_167 = vector.shape_cast %swap3A_166 : vector<1x16xf32> to vector<16xf32>
      %swap3A_168 = vector.shape_cast %scan3A_132#3 : vector<16xf32> to vector<1x16xf32>
      tpu.vector_store %arg7[%swap3A_164, %swap3A_165], %swap3A_168 {strides = array<i32>} : memref<128x128xf32, #tpu.memory_space<vmem>>, vector<1x16xf32>,
      %mul3A_169 = arith.constant 2 : i32
      %mul3A_170 = arith.muli %mul3A_169, %add3A_61 : i32
      %add3A_171 = arith.constant 0 : i32
      %add3A_172 = arith.addi %mul3A_170, %add3A_171 : i32
      %swap3A_173 = arith.index_cast %add3A_172 : i32 to index
      %swap3A_174 = arith.constant 64 : index
      %swap3A_175 = tpu.vector_load %arg7[%swap3A_173, %swap3A_174] {strides = array<i32>} : memref<128x128xf32, #tpu.memory_space<vmem>>, vector<1x16xf32>,
      %swap3A_176 = vector.shape_cast %swap3A_175 : vector<1x16xf32> to vector<16xf32>
      %swap3A_177 = vector.shape_cast %scan3A_132#4 : vector<16xf32> to vector<1x16xf32>
      tpu.vector_store %arg7[%swap3A_173, %swap3A_174], %swap3A_177 {strides = array<i32>} : memref<128x128xf32, #tpu.memory_space<vmem>>, vector<1x16xf32>,
      %mul3A_178 = arith.constant 2 : i32
      %mul3A_179 = arith.muli %mul3A_178, %add3A_61 : i32
      %add3A_180 = arith.constant 0 : i32
      %add3A_181 = arith.addi %mul3A_179, %add3A_180 : i32
      %swap3A_182 = arith.index_cast %add3A_181 : i32 to index
      %swap3A_183 = arith.constant 80 : index
      %swap3A_184 = tpu.vector_load %arg7[%swap3A_182, %swap3A_183] {strides = array<i32>} : memref<128x128xf32, #tpu.memory_space<vmem>>, vector<1x16xf32>,
      %swap3A_185 = vector.shape_cast %swap3A_184 : vector<1x16xf32> to vector<16xf32>
      %swap3A_186 = vector.shape_cast %scan3A_132#5 : vector<16xf32> to vector<1x16xf32>
      tpu.vector_store %arg7[%swap3A_182, %swap3A_183], %swap3A_186 {strides = array<i32>} : memref<128x128xf32, #tpu.memory_space<vmem>>, vector<1x16xf32>,
      %mul3A_187 = arith.constant 2 : i32
      %mul3A_188 = arith.muli %mul3A_187, %add3A_61 : i32
      %add3A_189 = arith.constant 0 : i32
      %add3A_190 = arith.addi %mul3A_188, %add3A_189 : i32
      %swap3A_191 = arith.index_cast %add3A_190 : i32 to index
      %swap3A_192 = arith.constant 96 : index
      %swap3A_193 = tpu.vector_load %arg7[%swap3A_191, %swap3A_192] {strides = array<i32>} : memref<128x128xf32, #tpu.memory_space<vmem>>, vector<1x16xf32>,
      %swap3A_194 = vector.shape_cast %swap3A_193 : vector<1x16xf32> to vector<16xf32>
      %swap3A_195 = vector.shape_cast %scan3A_132#6 : vector<16xf32> to vector<1x16xf32>
      tpu.vector_store %arg7[%swap3A_191, %swap3A_192], %swap3A_195 {strides = array<i32>} : memref<128x128xf32, #tpu.memory_space<vmem>>, vector<1x16xf32>,
      %mul3A_196 = arith.constant 2 : i32
      %mul3A_197 = arith.muli %mul3A_196, %add3A_61 : i32
      %add3A_198 = arith.constant 0 : i32
      %add3A_199 = arith.addi %mul3A_197, %add3A_198 : i32
      %swap3A_200 = arith.index_cast %add3A_199 : i32 to index
      %swap3A_201 = arith.constant 112 : index
      %swap3A_202 = tpu.vector_load %arg7[%swap3A_200, %swap3A_201] {strides = array<i32>} : memref<128x128xf32, #tpu.memory_space<vmem>>, vector<1x16xf32>,
      %swap3A_203 = vector.shape_cast %swap3A_202 : vector<1x16xf32> to vector<16xf32>
      %swap3A_204 = vector.shape_cast %scan3A_132#7 : vector<16xf32> to vector<1x16xf32>
      tpu.vector_store %arg7[%swap3A_200, %swap3A_201], %swap3A_204 {strides = array<i32>} : memref<128x128xf32, #tpu.memory_space<vmem>>, vector<1x16xf32>,
      %get3A_205 = arith.constant 0 : i32
      %get3A_206 = arith.constant 50 : i32
      %get3A_207 = arith.index_cast %get3A_205 : i32 to index
      %get3A_208 = arith.index_cast %get3A_206 : i32 to index
      %get3A_209 = arith.constant 0 : index
      %get3A_210 = tpu.vector_load %arg6[%get3A_207, %get3A_208, %get3A_209] {strides = array<i32>} : memref<4x100x128xf32, #tpu.memory_space<vmem>>, vector<1x1x16xf32>,
      %get3A_211 = vector.shape_cast %get3A_210 : vector<1x1x16xf32> to vector<16xf32>
      %get3A_212 = arith.constant 0 : i32
      %get3A_213 = arith.constant 50 : i32
      %get3A_214 = arith.index_cast %get3A_212 : i32 to index
      %get3A_215 = arith.index_cast %get3A_213 : i32 to index
      %get3A_216 = arith.constant 16 : index
      %get3A_217 = tpu.vector_load %arg6[%get3A_214, %get3A_215, %get3A_216] {strides = array<i32>} : memref<4x100x128xf32, #tpu.memory_space<vmem>>, vector<1x1x16xf32>,
      %get3A_218 = vector.shape_cast %get3A_217 : vector<1x1x16xf32> to vector<16xf32>
      %get3A_219 = arith.constant 0 : i32
      %get3A_220 = arith.constant 50 : i32
      %get3A_221 = arith.index_cast %get3A_219 : i32 to index
      %get3A_222 = arith.index_cast %get3A_220 : i32 to index
      %get3A_223 = arith.constant 32 : index
      %get3A_224 = tpu.vector_load %arg6[%get3A_221, %get3A_222, %get3A_223] {strides = array<i32>} : memref<4x100x128xf32, #tpu.memory_space<vmem>>, vector<1x1x16xf32>,
      %get3A_225 = vector.shape_cast %get3A_224 : vector<1x1x16xf32> to vector<16xf32>
      %get3A_226 = arith.constant 0 : i32
      %get3A_227 = arith.constant 50 : i32
      %get3A_228 = arith.index_cast %get3A_226 : i32 to index
      %get3A_229 = arith.index_cast %get3A_227 : i32 to index
      %get3A_230 = arith.constant 48 : index
      %get3A_231 = tpu.vector_load %arg6[%get3A_228, %get3A_229, %get3A_230] {strides = array<i32>} : memref<4x100x128xf32, #tpu.memory_space<vmem>>, vector<1x1x16xf32>,
      %get3A_232 = vector.shape_cast %get3A_231 : vector<1x1x16xf32> to vector<16xf32>
      %get3A_233 = arith.constant 0 : i32
      %get3A_234 = arith.constant 50 : i32
      %get3A_235 = arith.index_cast %get3A_233 : i32 to index
      %get3A_236 = arith.index_cast %get3A_234 : i32 to index
      %get3A_237 = arith.constant 64 : index
      %get3A_238 = tpu.vector_load %arg6[%get3A_235, %get3A_236, %get3A_237] {strides = array<i32>} : memref<4x100x128xf32, #tpu.memory_space<vmem>>, vector<1x1x16xf32>,
      %get3A_239 = vector.shape_cast %get3A_238 : vector<1x1x16xf32> to vector<16xf32>
      %get3A_240 = arith.constant 0 : i32
      %get3A_241 = arith.constant 50 : i32
      %get3A_242 = arith.index_cast %get3A_240 : i32 to index
      %get3A_243 = arith.index_cast %get3A_241 : i32 to index
      %get3A_244 = arith.constant 80 : index
      %get3A_245 = tpu.vector_load %arg6[%get3A_242, %get3A_243, %get3A_244] {strides = array<i32>} : memref<4x100x128xf32, #tpu.memory_space<vmem>>, vector<1x1x16xf32>,
      %get3A_246 = vector.shape_cast %get3A_245 : vector<1x1x16xf32> to vector<16xf32>
      %get3A_247 = arith.constant 0 : i32
      %get3A_248 = arith.constant 50 : i32
      %get3A_249 = arith.index_cast %get3A_247 : i32 to index
      %get3A_250 = arith.index_cast %get3A_248 : i32 to index
      %get3A_251 = arith.constant 96 : index
      %get3A_252 = tpu.vector_load %arg6[%get3A_249, %get3A_250, %get3A_251] {strides = array<i32>} : memref<4x100x128xf32, #tpu.memory_space<vmem>>, vector<1x1x16xf32>,
      %get3A_253 = vector.shape_cast %get3A_252 : vector<1x1x16xf32> to vector<16xf32>
      %get3A_254 = arith.constant 0 : i32
      %get3A_255 = arith.constant 50 : i32
      %get3A_256 = arith.index_cast %get3A_254 : i32 to index
      %get3A_257 = arith.index_cast %get3A_255 : i32 to index
      %get3A_258 = arith.constant 112 : index
      %get3A_259 = tpu.vector_load %arg6[%get3A_256, %get3A_257, %get3A_258] {strides = array<i32>} : memref<4x100x128xf32, #tpu.memory_space<vmem>>, vector<1x1x16xf32>,
      %get3A_260 = vector.shape_cast %get3A_259 : vector<1x1x16xf32> to vector<16xf32>
      %scan3A_261 = arith.constant 51 : i32
      %scan3A_262 = arith.constant 49 : i32
      %scan3A_263 = arith.addi %scan3A_261, %scan3A_262 : i32
      %scan3A_264 = arith.constant 1 : i32
      %scan3A_265:8 = scf.for %scan3A_1216 = %scan3A_261 to %scan3A_263 step %scan3A_264 iter_args(%scan3A_1217 = %get3A_211, %scan3A_1218 = %get3A_218, %scan3A_1219 = %get3A_225, %scan3A_1220 = %get3A_232, %scan3A_1221 = %get3A_239, %scan3A_1222 = %get3A_246, %scan3A_1223 = %get3A_253, %scan3A_1224 = %get3A_260) -> (vector<16xf32>, vector<16xf32>, vector<16xf32>, vector<16xf32>, vector<16xf32>, vector<16xf32>, vector<16xf32>, vector<16xf32>)  : i32 {
        %get3A_1225 = arith.constant 0 : i32
        %get3A_1226 = arith.index_cast %get3A_1225 : i32 to index
        %get3A_1227 = arith.index_cast %scan3A_1216 : i32 to index
        %get3A_1228 = arith.constant 0 : index
        %get3A_1229 = tpu.vector_load %arg6[%get3A_1226, %get3A_1227, %get3A_1228] {strides = array<i32>} : memref<4x100x128xf32, #tpu.memory_space<vmem>>, vector<1x1x16xf32>,
        %get3A_1230 = vector.shape_cast %get3A_1229 : vector<1x1x16xf32> to vector<16xf32>
        %add3A_1231 = arith.addf %scan3A_1217, %get3A_1230 : vector<16xf32>
        %get3A_1232 = arith.constant 0 : i32
        %get3A_1233 = arith.index_cast %get3A_1232 : i32 to index
        %get3A_1234 = arith.index_cast %scan3A_1216 : i32 to index
        %get3A_1235 = arith.constant 16 : index
        %get3A_1236 = tpu.vector_load %arg6[%get3A_1233, %get3A_1234, %get3A_1235] {strides = array<i32>} : memref<4x100x128xf32, #tpu.memory_space<vmem>>, vector<1x1x16xf32>,
        %get3A_1237 = vector.shape_cast %get3A_1236 : vector<1x1x16xf32> to vector<16xf32>
        %add3A_1238 = arith.addf %scan3A_1218, %get3A_1237 : vector<16xf32>
        %get3A_1239 = arith.constant 0 : i32
        %get3A_1240 = arith.index_cast %get3A_1239 : i32 to index
        %get3A_1241 = arith.index_cast %scan3A_1216 : i32 to index
        %get3A_1242 = arith.constant 32 : index
        %get3A_1243 = tpu.vector_load %arg6[%get3A_1240, %get3A_1241, %get3A_1242] {strides = array<i32>} : memref<4x100x128xf32, #tpu.memory_space<vmem>>, vector<1x1x16xf32>,
        %get3A_1244 = vector.shape_cast %get3A_1243 : vector<1x1x16xf32> to vector<16xf32>
        %add3A_1245 = arith.addf %scan3A_1219, %get3A_1244 : vector<16xf32>
        %get3A_1246 = arith.constant 0 : i32
        %get3A_1247 = arith.index_cast %get3A_1246 : i32 to index
        %get3A_1248 = arith.index_cast %scan3A_1216 : i32 to index
        %get3A_1249 = arith.constant 48 : index
        %get3A_1250 = tpu.vector_load %arg6[%get3A_1247, %get3A_1248, %get3A_1249] {strides = array<i32>} : memref<4x100x128xf32, #tpu.memory_space<vmem>>, vector<1x1x16xf32>,
        %get3A_1251 = vector.shape_cast %get3A_1250 : vector<1x1x16xf32> to vector<16xf32>
        %add3A_1252 = arith.addf %scan3A_1220, %get3A_1251 : vector<16xf32>
        %get3A_1253 = arith.constant 0 : i32
        %get3A_1254 = arith.index_cast %get3A_1253 : i32 to index
        %get3A_1255 = arith.index_cast %scan3A_1216 : i32 to index
        %get3A_1256 = arith.constant 64 : index
        %get3A_1257 = tpu.vector_load %arg6[%get3A_1254, %get3A_1255, %get3A_1256] {strides = array<i32>} : memref<4x100x128xf32, #tpu.memory_space<vmem>>, vector<1x1x16xf32>,
        %get3A_1258 = vector.shape_cast %get3A_1257 : vector<1x1x16xf32> to vector<16xf32>
        %add3A_1259 = arith.addf %scan3A_1221, %get3A_1258 : vector<16xf32>
        %get3A_1260 = arith.constant 0 : i32
        %get3A_1261 = arith.index_cast %get3A_1260 : i32 to index
        %get3A_1262 = arith.index_cast %scan3A_1216 : i32 to index
        %get3A_1263 = arith.constant 80 : index
        %get3A_1264 = tpu.vector_load %arg6[%get3A_1261, %get3A_1262, %get3A_1263] {strides = array<i32>} : memref<4x100x128xf32, #tpu.memory_space<vmem>>, vector<1x1x16xf32>,
        %get3A_1265 = vector.shape_cast %get3A_1264 : vector<1x1x16xf32> to vector<16xf32>
        %add3A_1266 = arith.addf %scan3A_1222, %get3A_1265 : vector<16xf32>
        %get3A_1267 = arith.constant 0 : i32
        %get3A_1268 = arith.index_cast %get3A_1267 : i32 to index
        %get3A_1269 = arith.index_cast %scan3A_1216 : i32 to index
        %get3A_1270 = arith.constant 96 : index
        %get3A_1271 = tpu.vector_load %arg6[%get3A_1268, %get3A_1269, %get3A_1270] {strides = array<i32>} : memref<4x100x128xf32, #tpu.memory_space<vmem>>, vector<1x1x16xf32>,
        %get3A_1272 = vector.shape_cast %get3A_1271 : vector<1x1x16xf32> to vector<16xf32>
        %add3A_1273 = arith.addf %scan3A_1223, %get3A_1272 : vector<16xf32>
        %get3A_1274 = arith.constant 0 : i32
        %get3A_1275 = arith.index_cast %get3A_1274 : i32 to index
        %get3A_1276 = arith.index_cast %scan3A_1216 : i32 to index
        %get3A_1277 = arith.constant 112 : index
        %get3A_1278 = tpu.vector_load %arg6[%get3A_1275, %get3A_1276, %get3A_1277] {strides = array<i32>} : memref<4x100x128xf32, #tpu.memory_space<vmem>>, vector<1x1x16xf32>,
        %get3A_1279 = vector.shape_cast %get3A_1278 : vector<1x1x16xf32> to vector<16xf32>
        %add3A_1280 = arith.addf %scan3A_1224, %get3A_1279 : vector<16xf32>
        scf.yield %add3A_1231, %add3A_1238, %add3A_1245, %add3A_1252, %add3A_1259, %add3A_1266, %add3A_1273, %add3A_1280 : vector<16xf32>, vector<16xf32>, vector<16xf32>, vector<16xf32>, vector<16xf32>, vector<16xf32>, vector<16xf32>, vector<16xf32>
      }
      %scan3A_266 = arith.constant 49 : i32
      %mul3A_267 = arith.constant 2 : i32
      %mul3A_268 = arith.muli %mul3A_267, %add3A_61 : i32
      %add3A_269 = arith.constant 1 : i32
      %add3A_270 = arith.addi %mul3A_268, %add3A_269 : i32
      %swap3A_271 = arith.index_cast %add3A_270 : i32 to index
      %swap3A_272 = arith.constant 0 : index
      %swap3A_273 = tpu.vector_load %arg7[%swap3A_271, %swap3A_272] {strides = array<i32>} : memref<128x128xf32, #tpu.memory_space<vmem>>, vector<1x16xf32>,
      %swap3A_274 = vector.shape_cast %swap3A_273 : vector<1x16xf32> to vector<16xf32>
      %swap3A_275 = vector.shape_cast %scan3A_265#0 : vector<16xf32> to vector<1x16xf32>
      tpu.vector_store %arg7[%swap3A_271, %swap3A_272], %swap3A_275 {strides = array<i32>} : memref<128x128xf32, #tpu.memory_space<vmem>>, vector<1x16xf32>,
      %mul3A_276 = arith.constant 2 : i32
      %mul3A_277 = arith.muli %mul3A_276, %add3A_61 : i32
      %add3A_278 = arith.constant 1 : i32
      %add3A_279 = arith.addi %mul3A_277, %add3A_278 : i32
      %swap3A_280 = arith.index_cast %add3A_279 : i32 to index
      %swap3A_281 = arith.constant 16 : index
      %swap3A_282 = tpu.vector_load %arg7[%swap3A_280, %swap3A_281] {strides = array<i32>} : memref<128x128xf32, #tpu.memory_space<vmem>>, vector<1x16xf32>,
      %swap3A_283 = vector.shape_cast %swap3A_282 : vector<1x16xf32> to vector<16xf32>
      %swap3A_284 = vector.shape_cast %scan3A_265#1 : vector<16xf32> to vector<1x16xf32>
      tpu.vector_store %arg7[%swap3A_280, %swap3A_281], %swap3A_284 {strides = array<i32>} : memref<128x128xf32, #tpu.memory_space<vmem>>, vector<1x16xf32>,
      %mul3A_285 = arith.constant 2 : i32
      %mul3A_286 = arith.muli %mul3A_285, %add3A_61 : i32
      %add3A_287 = arith.constant 1 : i32
      %add3A_288 = arith.addi %mul3A_286, %add3A_287 : i32
      %swap3A_289 = arith.index_cast %add3A_288 : i32 to index
      %swap3A_290 = arith.constant 32 : index
      %swap3A_291 = tpu.vector_load %arg7[%swap3A_289, %swap3A_290] {strides = array<i32>} : memref<128x128xf32, #tpu.memory_space<vmem>>, vector<1x16xf32>,
      %swap3A_292 = vector.shape_cast %swap3A_291 : vector<1x16xf32> to vector<16xf32>
      %swap3A_293 = vector.shape_cast %scan3A_265#2 : vector<16xf32> to vector<1x16xf32>
      tpu.vector_store %arg7[%swap3A_289, %swap3A_290], %swap3A_293 {strides = array<i32>} : memref<128x128xf32, #tpu.memory_space<vmem>>, vector<1x16xf32>,
      %mul3A_294 = arith.constant 2 : i32
      %mul3A_295 = arith.muli %mul3A_294, %add3A_61 : i32
      %add3A_296 = arith.constant 1 : i32
      %add3A_297 = arith.addi %mul3A_295, %add3A_296 : i32
      %swap3A_298 = arith.index_cast %add3A_297 : i32 to index
      %swap3A_299 = arith.constant 48 : index
      %swap3A_300 = tpu.vector_load %arg7[%swap3A_298, %swap3A_299] {strides = array<i32>} : memref<128x128xf32, #tpu.memory_space<vmem>>, vector<1x16xf32>,
      %swap3A_301 = vector.shape_cast %swap3A_300 : vector<1x16xf32> to vector<16xf32>
      %swap3A_302 = vector.shape_cast %scan3A_265#3 : vector<16xf32> to vector<1x16xf32>
      tpu.vector_store %arg7[%swap3A_298, %swap3A_299], %swap3A_302 {strides = array<i32>} : memref<128x128xf32, #tpu.memory_space<vmem>>, vector<1x16xf32>,
      %mul3A_303 = arith.constant 2 : i32
      %mul3A_304 = arith.muli %mul3A_303, %add3A_61 : i32
      %add3A_305 = arith.constant 1 : i32
      %add3A_306 = arith.addi %mul3A_304, %add3A_305 : i32
      %swap3A_307 = arith.index_cast %add3A_306 : i32 to index
      %swap3A_308 = arith.constant 64 : index
      %swap3A_309 = tpu.vector_load %arg7[%swap3A_307, %swap3A_308] {strides = array<i32>} : memref<128x128xf32, #tpu.memory_space<vmem>>, vector<1x16xf32>,
      %swap3A_310 = vector.shape_cast %swap3A_309 : vector<1x16xf32> to vector<16xf32>
      %swap3A_311 = vector.shape_cast %scan3A_265#4 : vector<16xf32> to vector<1x16xf32>
      tpu.vector_store %arg7[%swap3A_307, %swap3A_308], %swap3A_311 {strides = array<i32>} : memref<128x128xf32, #tpu.memory_space<vmem>>, vector<1x16xf32>,
      %mul3A_312 = arith.constant 2 : i32
      %mul3A_313 = arith.muli %mul3A_312, %add3A_61 : i32
      %add3A_314 = arith.constant 1 : i32
      %add3A_315 = arith.addi %mul3A_313, %add3A_314 : i32
      %swap3A_316 = arith.index_cast %add3A_315 : i32 to index
      %swap3A_317 = arith.constant 80 : index
      %swap3A_318 = tpu.vector_load %arg7[%swap3A_316, %swap3A_317] {strides = array<i32>} : memref<128x128xf32, #tpu.memory_space<vmem>>, vector<1x16xf32>,
      %swap3A_319 = vector.shape_cast %swap3A_318 : vector<1x16xf32> to vector<16xf32>
      %swap3A_320 = vector.shape_cast %scan3A_265#5 : vector<16xf32> to vector<1x16xf32>
      tpu.vector_store %arg7[%swap3A_316, %swap3A_317], %swap3A_320 {strides = array<i32>} : memref<128x128xf32, #tpu.memory_space<vmem>>, vector<1x16xf32>,
      %mul3A_321 = arith.constant 2 : i32
      %mul3A_322 = arith.muli %mul3A_321, %add3A_61 : i32
      %add3A_323 = arith.constant 1 : i32
      %add3A_324 = arith.addi %mul3A_322, %add3A_323 : i32
      %swap3A_325 = arith.index_cast %add3A_324 : i32 to index
      %swap3A_326 = arith.constant 96 : index
      %swap3A_327 = tpu.vector_load %arg7[%swap3A_325, %swap3A_326] {strides = array<i32>} : memref<128x128xf32, #tpu.memory_space<vmem>>, vector<1x16xf32>,
      %swap3A_328 = vector.shape_cast %swap3A_327 : vector<1x16xf32> to vector<16xf32>
      %swap3A_329 = vector.shape_cast %scan3A_265#6 : vector<16xf32> to vector<1x16xf32>
      tpu.vector_store %arg7[%swap3A_325, %swap3A_326], %swap3A_329 {strides = array<i32>} : memref<128x128xf32, #tpu.memory_space<vmem>>, vector<1x16xf32>,
      %mul3A_330 = arith.constant 2 : i32
      %mul3A_331 = arith.muli %mul3A_330, %add3A_61 : i32
      %add3A_332 = arith.constant 1 : i32
      %add3A_333 = arith.addi %mul3A_331, %add3A_332 : i32
      %swap3A_334 = arith.index_cast %add3A_333 : i32 to index
      %swap3A_335 = arith.constant 112 : index
      %swap3A_336 = tpu.vector_load %arg7[%swap3A_334, %swap3A_335] {strides = array<i32>} : memref<128x128xf32, #tpu.memory_space<vmem>>, vector<1x16xf32>,
      %swap3A_337 = vector.shape_cast %swap3A_336 : vector<1x16xf32> to vector<16xf32>
      %swap3A_338 = vector.shape_cast %scan3A_265#7 : vector<16xf32> to vector<1x16xf32>
      tpu.vector_store %arg7[%swap3A_334, %swap3A_335], %swap3A_338 {strides = array<i32>} : memref<128x128xf32, #tpu.memory_space<vmem>>, vector<1x16xf32>,
      %add3A_339 = arith.constant 4 : i32
      %add3A_340 = arith.addi %add3A_61, %add3A_339 : i32
      %lt3A = arith.constant 64 : i32
      %lt3A_341 = arith.cmpi slt, %add3A_340, %lt3A : i32
      %convert_element_type3A = arith.extui %lt3A_341 : i1 to i32
      %cond3A = arith.constant 0 : i32
      %cond3A_342 = arith.cmpi ne, %convert_element_type3A, %cond3A : i32
      scf.if %cond3A_342 {
        %dma_start3A_1216 = arith.constant 0 : i32
        %dma_start3A_1217 = arith.constant 0 : i32
        %dma_start3A_1218 = arith.constant 0 : i32
        %dma_start3A_1219 = tpu.memref_slice %arg6[%dma_start3A_1216, %dma_start3A_1217, %dma_start3A_1218] : memref<4x100x128xf32, #tpu.memory_space<vmem>> -> memref<1x100x128xf32, #tpu.memory_space<vmem>>
        %dma_start3A_1220 = tpu.memref_squeeze %dma_start3A_1219 : memref<1x100x128xf32, #tpu.memory_space<vmem>> -> memref<100x128xf32, #tpu.memory_space<vmem>>
        %dma_start3A_1221 = arith.constant 0 : i32
        %dma_start3A_1222 = tpu.memref_slice %arg5[%add3A_340, %dma_start3A_1221] : memref<64x100xi32, #tpu.memory_space<vmem>> -> memref<1x100xi32, #tpu.memory_space<vmem>>
        %dma_start3A_1223 = tpu.memref_squeeze %dma_start3A_1222 : memref<1x100xi32, #tpu.memory_space<vmem>> -> memref<100xi32, #tpu.memory_space<vmem>>
        %dma_start3A_1224 = arith.constant 0 : i32
        %dma_start3A_1225 = arith.constant 0 : i32
        %dma_start3A_1226 = tpu.memref_slice %arg3[%dma_start3A_1224, %dma_start3A_1225] : memref<100000x128xf32, #tpu.memory_space<hbm>> -> memref<100000x128xf32, #tpu.memory_space<hbm>>
        tpu.enqueue_indirect_dma source(%dma_start3A_1226 : memref<100000x128xf32, #tpu.memory_space<hbm>>) target(%dma_start3A_1220 : memref<100x128xf32, #tpu.memory_space<vmem>>) offsets(%dma_start3A_1223 : memref<100xi32, #tpu.memory_space<vmem>>) semaphore(%arg8 : memref<!tpu.dma_semaphore, #tpu.memory_space<semaphore_mem>>)
      } else {
      }
      %mul3A_343 = arith.constant 4 : i32
      %mul3A_344 = arith.muli %mul3A_343, %scan3A_57 : i32
      %add3A_345 = arith.constant 1 : i32
      %add3A_346 = arith.addi %mul3A_344, %add3A_345 : i32
      %dma_wait3A_347 = arith.constant 0 : i32
      %dma_wait3A_348 = arith.constant 1 : i32
      %dma_wait3A_349 = arith.constant 0 : i32
      %dma_wait3A_350 = arith.constant 0 : i32
      %dma_wait3A_351 = tpu.memref_slice %arg6[%dma_wait3A_348, %dma_wait3A_349, %dma_wait3A_350] : memref<4x100x128xf32, #tpu.memory_space<vmem>> -> memref<1x100x128xf32, #tpu.memory_space<vmem>>
      %dma_wait3A_352 = tpu.memref_squeeze %dma_wait3A_351 : memref<1x100x128xf32, #tpu.memory_space<vmem>> -> memref<100x128xf32, #tpu.memory_space<vmem>>
      %dma_wait3A_353 = arith.constant 0 : i32
      %dma_wait3A_354 = tpu.memref_slice %arg5[%dma_wait3A_347, %dma_wait3A_353] : memref<64x100xi32, #tpu.memory_space<vmem>> -> memref<1x100xi32, #tpu.memory_space<vmem>>
      %dma_wait3A_355 = tpu.memref_squeeze %dma_wait3A_354 : memref<1x100xi32, #tpu.memory_space<vmem>> -> memref<100xi32, #tpu.memory_space<vmem>>
      %dma_wait3A_356 = arith.constant 0 : i32
      %dma_wait3A_357 = arith.constant 0 : i32
      %dma_wait3A_358 = tpu.memref_slice %arg3[%dma_wait3A_356, %dma_wait3A_357] : memref<100000x128xf32, #tpu.memory_space<hbm>> -> memref<100000x128xf32, #tpu.memory_space<hbm>>
      tpu.wait_indirect_dma semaphore(%arg9 : memref<!tpu.dma_semaphore, #tpu.memory_space<semaphore_mem>>) src(%dma_wait3A_358 : memref<100000x128xf32, #tpu.memory_space<hbm>>) dst(%dma_wait3A_352 : memref<100x128xf32, #tpu.memory_space<vmem>>)
      %get3A_359 = arith.constant 1 : i32
      %get3A_360 = arith.constant 0 : i32
      %get3A_361 = arith.index_cast %get3A_359 : i32 to index
      %get3A_362 = arith.index_cast %get3A_360 : i32 to index
      %get3A_363 = arith.constant 0 : index
      %get3A_364 = tpu.vector_load %arg6[%get3A_361, %get3A_362, %get3A_363] {strides = array<i32>} : memref<4x100x128xf32, #tpu.memory_space<vmem>>, vector<1x1x16xf32>,
      %get3A_365 = vector.shape_cast %get3A_364 : vector<1x1x16xf32> to vector<16xf32>
      %get3A_366 = arith.constant 1 : i32
      %get3A_367 = arith.constant 0 : i32
      %get3A_368 = arith.index_cast %get3A_366 : i32 to index
      %get3A_369 = arith.index_cast %get3A_367 : i32 to index
      %get3A_370 = arith.constant 16 : index
      %get3A_371 = tpu.vector_load %arg6[%get3A_368, %get3A_369, %get3A_370] {strides = array<i32>} : memref<4x100x128xf32, #tpu.memory_space<vmem>>, vector<1x1x16xf32>,
      %get3A_372 = vector.shape_cast %get3A_371 : vector<1x1x16xf32> to vector<16xf32>
      %get3A_373 = arith.constant 1 : i32
      %get3A_374 = arith.constant 0 : i32
      %get3A_375 = arith.index_cast %get3A_373 : i32 to index
      %get3A_376 = arith.index_cast %get3A_374 : i32 to index
      %get3A_377 = arith.constant 32 : index
      %get3A_378 = tpu.vector_load %arg6[%get3A_375, %get3A_376, %get3A_377] {strides = array<i32>} : memref<4x100x128xf32, #tpu.memory_space<vmem>>, vector<1x1x16xf32>,
      %get3A_379 = vector.shape_cast %get3A_378 : vector<1x1x16xf32> to vector<16xf32>
      %get3A_380 = arith.constant 1 : i32
      %get3A_381 = arith.constant 0 : i32
      %get3A_382 = arith.index_cast %get3A_380 : i32 to index
      %get3A_383 = arith.index_cast %get3A_381 : i32 to index
      %get3A_384 = arith.constant 48 : index
      %get3A_385 = tpu.vector_load %arg6[%get3A_382, %get3A_383, %get3A_384] {strides = array<i32>} : memref<4x100x128xf32, #tpu.memory_space<vmem>>, vector<1x1x16xf32>,
      %get3A_386 = vector.shape_cast %get3A_385 : vector<1x1x16xf32> to vector<16xf32>
      %get3A_387 = arith.constant 1 : i32
      %get3A_388 = arith.constant 0 : i32
      %get3A_389 = arith.index_cast %get3A_387 : i32 to index
      %get3A_390 = arith.index_cast %get3A_388 : i32 to index
      %get3A_391 = arith.constant 64 : index
      %get3A_392 = tpu.vector_load %arg6[%get3A_389, %get3A_390, %get3A_391] {strides = array<i32>} : memref<4x100x128xf32, #tpu.memory_space<vmem>>, vector<1x1x16xf32>,
      %get3A_393 = vector.shape_cast %get3A_392 : vector<1x1x16xf32> to vector<16xf32>
      %get3A_394 = arith.constant 1 : i32
      %get3A_395 = arith.constant 0 : i32
      %get3A_396 = arith.index_cast %get3A_394 : i32 to index
      %get3A_397 = arith.index_cast %get3A_395 : i32 to index
      %get3A_398 = arith.constant 80 : index
      %get3A_399 = tpu.vector_load %arg6[%get3A_396, %get3A_397, %get3A_398] {strides = array<i32>} : memref<4x100x128xf32, #tpu.memory_space<vmem>>, vector<1x1x16xf32>,
      %get3A_400 = vector.shape_cast %get3A_399 : vector<1x1x16xf32> to vector<16xf32>
      %get3A_401 = arith.constant 1 : i32
      %get3A_402 = arith.constant 0 : i32
      %get3A_403 = arith.index_cast %get3A_401 : i32 to index
      %get3A_404 = arith.index_cast %get3A_402 : i32 to index
      %get3A_405 = arith.constant 96 : index
      %get3A_406 = tpu.vector_load %arg6[%get3A_403, %get3A_404, %get3A_405] {strides = array<i32>} : memref<4x100x128xf32, #tpu.memory_space<vmem>>, vector<1x1x16xf32>,
      %get3A_407 = vector.shape_cast %get3A_406 : vector<1x1x16xf32> to vector<16xf32>
      %get3A_408 = arith.constant 1 : i32
      %get3A_409 = arith.constant 0 : i32
      %get3A_410 = arith.index_cast %get3A_408 : i32 to index
      %get3A_411 = arith.index_cast %get3A_409 : i32 to index
      %get3A_412 = arith.constant 112 : index
      %get3A_413 = tpu.vector_load %arg6[%get3A_410, %get3A_411, %get3A_412] {strides = array<i32>} : memref<4x100x128xf32, #tpu.memory_space<vmem>>, vector<1x1x16xf32>,
      %get3A_414 = vector.shape_cast %get3A_413 : vector<1x1x16xf32> to vector<16xf32>
      %scan3A_415 = arith.constant 1 : i32
      %scan3A_416 = arith.constant 49 : i32
      %scan3A_417 = arith.addi %scan3A_415, %scan3A_416 : i32
      %scan3A_418 = arith.constant 1 : i32
      %scan3A_419:8 = scf.for %scan3A_1216 = %scan3A_415 to %scan3A_417 step %scan3A_418 iter_args(%scan3A_1217 = %get3A_365, %scan3A_1218 = %get3A_372, %scan3A_1219 = %get3A_379, %scan3A_1220 = %get3A_386, %scan3A_1221 = %get3A_393, %scan3A_1222 = %get3A_400, %scan3A_1223 = %get3A_407, %scan3A_1224 = %get3A_414) -> (vector<16xf32>, vector<16xf32>, vector<16xf32>, vector<16xf32>, vector<16xf32>, vector<16xf32>, vector<16xf32>, vector<16xf32>)  : i32 {
        %get3A_1225 = arith.constant 1 : i32
        %get3A_1226 = arith.index_cast %get3A_1225 : i32 to index
        %get3A_1227 = arith.index_cast %scan3A_1216 : i32 to index
        %get3A_1228 = arith.constant 0 : index
        %get3A_1229 = tpu.vector_load %arg6[%get3A_1226, %get3A_1227, %get3A_1228] {strides = array<i32>} : memref<4x100x128xf32, #tpu.memory_space<vmem>>, vector<1x1x16xf32>,
        %get3A_1230 = vector.shape_cast %get3A_1229 : vector<1x1x16xf32> to vector<16xf32>
        %add3A_1231 = arith.addf %scan3A_1217, %get3A_1230 : vector<16xf32>
        %get3A_1232 = arith.constant 1 : i32
        %get3A_1233 = arith.index_cast %get3A_1232 : i32 to index
        %get3A_1234 = arith.index_cast %scan3A_1216 : i32 to index
        %get3A_1235 = arith.constant 16 : index
        %get3A_1236 = tpu.vector_load %arg6[%get3A_1233, %get3A_1234, %get3A_1235] {strides = array<i32>} : memref<4x100x128xf32, #tpu.memory_space<vmem>>, vector<1x1x16xf32>,
        %get3A_1237 = vector.shape_cast %get3A_1236 : vector<1x1x16xf32> to vector<16xf32>
        %add3A_1238 = arith.addf %scan3A_1218, %get3A_1237 : vector<16xf32>
        %get3A_1239 = arith.constant 1 : i32
        %get3A_1240 = arith.index_cast %get3A_1239 : i32 to index
        %get3A_1241 = arith.index_cast %scan3A_1216 : i32 to index
        %get3A_1242 = arith.constant 32 : index
        %get3A_1243 = tpu.vector_load %arg6[%get3A_1240, %get3A_1241, %get3A_1242] {strides = array<i32>} : memref<4x100x128xf32, #tpu.memory_space<vmem>>, vector<1x1x16xf32>,
        %get3A_1244 = vector.shape_cast %get3A_1243 : vector<1x1x16xf32> to vector<16xf32>
        %add3A_1245 = arith.addf %scan3A_1219, %get3A_1244 : vector<16xf32>
        %get3A_1246 = arith.constant 1 : i32
        %get3A_1247 = arith.index_cast %get3A_1246 : i32 to index
        %get3A_1248 = arith.index_cast %scan3A_1216 : i32 to index
        %get3A_1249 = arith.constant 48 : index
        %get3A_1250 = tpu.vector_load %arg6[%get3A_1247, %get3A_1248, %get3A_1249] {strides = array<i32>} : memref<4x100x128xf32, #tpu.memory_space<vmem>>, vector<1x1x16xf32>,
        %get3A_1251 = vector.shape_cast %get3A_1250 : vector<1x1x16xf32> to vector<16xf32>
        %add3A_1252 = arith.addf %scan3A_1220, %get3A_1251 : vector<16xf32>
        %get3A_1253 = arith.constant 1 : i32
        %get3A_1254 = arith.index_cast %get3A_1253 : i32 to index
        %get3A_1255 = arith.index_cast %scan3A_1216 : i32 to index
        %get3A_1256 = arith.constant 64 : index
        %get3A_1257 = tpu.vector_load %arg6[%get3A_1254, %get3A_1255, %get3A_1256] {strides = array<i32>} : memref<4x100x128xf32, #tpu.memory_space<vmem>>, vector<1x1x16xf32>,
        %get3A_1258 = vector.shape_cast %get3A_1257 : vector<1x1x16xf32> to vector<16xf32>
        %add3A_1259 = arith.addf %scan3A_1221, %get3A_1258 : vector<16xf32>
        %get3A_1260 = arith.constant 1 : i32
        %get3A_1261 = arith.index_cast %get3A_1260 : i32 to index
        %get3A_1262 = arith.index_cast %scan3A_1216 : i32 to index
        %get3A_1263 = arith.constant 80 : index
        %get3A_1264 = tpu.vector_load %arg6[%get3A_1261, %get3A_1262, %get3A_1263] {strides = array<i32>} : memref<4x100x128xf32, #tpu.memory_space<vmem>>, vector<1x1x16xf32>,
        %get3A_1265 = vector.shape_cast %get3A_1264 : vector<1x1x16xf32> to vector<16xf32>
        %add3A_1266 = arith.addf %scan3A_1222, %get3A_1265 : vector<16xf32>
        %get3A_1267 = arith.constant 1 : i32
        %get3A_1268 = arith.index_cast %get3A_1267 : i32 to index
        %get3A_1269 = arith.index_cast %scan3A_1216 : i32 to index
        %get3A_1270 = arith.constant 96 : index
        %get3A_1271 = tpu.vector_load %arg6[%get3A_1268, %get3A_1269, %get3A_1270] {strides = array<i32>} : memref<4x100x128xf32, #tpu.memory_space<vmem>>, vector<1x1x16xf32>,
        %get3A_1272 = vector.shape_cast %get3A_1271 : vector<1x1x16xf32> to vector<16xf32>
        %add3A_1273 = arith.addf %scan3A_1223, %get3A_1272 : vector<16xf32>
        %get3A_1274 = arith.constant 1 : i32
        %get3A_1275 = arith.index_cast %get3A_1274 : i32 to index
        %get3A_1276 = arith.index_cast %scan3A_1216 : i32 to index
        %get3A_1277 = arith.constant 112 : index
        %get3A_1278 = tpu.vector_load %arg6[%get3A_1275, %get3A_1276, %get3A_1277] {strides = array<i32>} : memref<4x100x128xf32, #tpu.memory_space<vmem>>, vector<1x1x16xf32>,
        %get3A_1279 = vector.shape_cast %get3A_1278 : vector<1x1x16xf32> to vector<16xf32>
        %add3A_1280 = arith.addf %scan3A_1224, %get3A_1279 : vector<16xf32>
        scf.yield %add3A_1231, %add3A_1238, %add3A_1245, %add3A_1252, %add3A_1259, %add3A_1266, %add3A_1273, %add3A_1280 : vector<16xf32>, vector<16xf32>, vector<16xf32>, vector<16xf32>, vector<16xf32>, vector<16xf32>, vector<16xf32>, vector<16xf32>
      }
      %scan3A_420 = arith.constant 49 : i32
      %mul3A_421 = arith.constant 2 : i32
      %mul3A_422 = arith.muli %mul3A_421, %add3A_346 : i32
      %add3A_423 = arith.constant 0 : i32
      %add3A_424 = arith.addi %mul3A_422, %add3A_423 : i32
      %swap3A_425 = arith.index_cast %add3A_424 : i32 to index
      %swap3A_426 = arith.constant 0 : index
      %swap3A_427 = tpu.vector_load %arg7[%swap3A_425, %swap3A_426] {strides = array<i32>} : memref<128x128xf32, #tpu.memory_space<vmem>>, vector<1x16xf32>,
      %swap3A_428 = vector.shape_cast %swap3A_427 : vector<1x16xf32> to vector<16xf32>
      %swap3A_429 = vector.shape_cast %scan3A_419#0 : vector<16xf32> to vector<1x16xf32>
      tpu.vector_store %arg7[%swap3A_425, %swap3A_426], %swap3A_429 {strides = array<i32>} : memref<128x128xf32, #tpu.memory_space<vmem>>, vector<1x16xf32>,
      %mul3A_430 = arith.constant 2 : i32
      %mul3A_431 = arith.muli %mul3A_430, %add3A_346 : i32
      %add3A_432 = arith.constant 0 : i32
      %add3A_433 = arith.addi %mul3A_431, %add3A_432 : i32
      %swap3A_434 = arith.index_cast %add3A_433 : i32 to index
      %swap3A_435 = arith.constant 16 : index
      %swap3A_436 = tpu.vector_load %arg7[%swap3A_434, %swap3A_435] {strides = array<i32>} : memref<128x128xf32, #tpu.memory_space<vmem>>, vector<1x16xf32>,
      %swap3A_437 = vector.shape_cast %swap3A_436 : vector<1x16xf32> to vector<16xf32>
      %swap3A_438 = vector.shape_cast %scan3A_419#1 : vector<16xf32> to vector<1x16xf32>
      tpu.vector_store %arg7[%swap3A_434, %swap3A_435], %swap3A_438 {strides = array<i32>} : memref<128x128xf32, #tpu.memory_space<vmem>>, vector<1x16xf32>,
      %mul3A_439 = arith.constant 2 : i32
      %mul3A_440 = arith.muli %mul3A_439, %add3A_346 : i32
      %add3A_441 = arith.constant 0 : i32
      %add3A_442 = arith.addi %mul3A_440, %add3A_441 : i32
      %swap3A_443 = arith.index_cast %add3A_442 : i32 to index
      %swap3A_444 = arith.constant 32 : index
      %swap3A_445 = tpu.vector_load %arg7[%swap3A_443, %swap3A_444] {strides = array<i32>} : memref<128x128xf32, #tpu.memory_space<vmem>>, vector<1x16xf32>,
      %swap3A_446 = vector.shape_cast %swap3A_445 : vector<1x16xf32> to vector<16xf32>
      %swap3A_447 = vector.shape_cast %scan3A_419#2 : vector<16xf32> to vector<1x16xf32>
      tpu.vector_store %arg7[%swap3A_443, %swap3A_444], %swap3A_447 {strides = array<i32>} : memref<128x128xf32, #tpu.memory_space<vmem>>, vector<1x16xf32>,
      %mul3A_448 = arith.constant 2 : i32
      %mul3A_449 = arith.muli %mul3A_448, %add3A_346 : i32
      %add3A_450 = arith.constant 0 : i32
      %add3A_451 = arith.addi %mul3A_449, %add3A_450 : i32
      %swap3A_452 = arith.index_cast %add3A_451 : i32 to index
      %swap3A_453 = arith.constant 48 : index
      %swap3A_454 = tpu.vector_load %arg7[%swap3A_452, %swap3A_453] {strides = array<i32>} : memref<128x128xf32, #tpu.memory_space<vmem>>, vector<1x16xf32>,
      %swap3A_455 = vector.shape_cast %swap3A_454 : vector<1x16xf32> to vector<16xf32>
      %swap3A_456 = vector.shape_cast %scan3A_419#3 : vector<16xf32> to vector<1x16xf32>
      tpu.vector_store %arg7[%swap3A_452, %swap3A_453], %swap3A_456 {strides = array<i32>} : memref<128x128xf32, #tpu.memory_space<vmem>>, vector<1x16xf32>,
      %mul3A_457 = arith.constant 2 : i32
      %mul3A_458 = arith.muli %mul3A_457, %add3A_346 : i32
      %add3A_459 = arith.constant 0 : i32
      %add3A_460 = arith.addi %mul3A_458, %add3A_459 : i32
      %swap3A_461 = arith.index_cast %add3A_460 : i32 to index
      %swap3A_462 = arith.constant 64 : index
      %swap3A_463 = tpu.vector_load %arg7[%swap3A_461, %swap3A_462] {strides = array<i32>} : memref<128x128xf32, #tpu.memory_space<vmem>>, vector<1x16xf32>,
      %swap3A_464 = vector.shape_cast %swap3A_463 : vector<1x16xf32> to vector<16xf32>
      %swap3A_465 = vector.shape_cast %scan3A_419#4 : vector<16xf32> to vector<1x16xf32>
      tpu.vector_store %arg7[%swap3A_461, %swap3A_462], %swap3A_465 {strides = array<i32>} : memref<128x128xf32, #tpu.memory_space<vmem>>, vector<1x16xf32>,
      %mul3A_466 = arith.constant 2 : i32
      %mul3A_467 = arith.muli %mul3A_466, %add3A_346 : i32
      %add3A_468 = arith.constant 0 : i32
      %add3A_469 = arith.addi %mul3A_467, %add3A_468 : i32
      %swap3A_470 = arith.index_cast %add3A_469 : i32 to index
      %swap3A_471 = arith.constant 80 : index
      %swap3A_472 = tpu.vector_load %arg7[%swap3A_470, %swap3A_471] {strides = array<i32>} : memref<128x128xf32, #tpu.memory_space<vmem>>, vector<1x16xf32>,
      %swap3A_473 = vector.shape_cast %swap3A_472 : vector<1x16xf32> to vector<16xf32>
      %swap3A_474 = vector.shape_cast %scan3A_419#5 : vector<16xf32> to vector<1x16xf32>
      tpu.vector_store %arg7[%swap3A_470, %swap3A_471], %swap3A_474 {strides = array<i32>} : memref<128x128xf32, #tpu.memory_space<vmem>>, vector<1x16xf32>,
      %mul3A_475 = arith.constant 2 : i32
      %mul3A_476 = arith.muli %mul3A_475, %add3A_346 : i32
      %add3A_477 = arith.constant 0 : i32
      %add3A_478 = arith.addi %mul3A_476, %add3A_477 : i32
      %swap3A_479 = arith.index_cast %add3A_478 : i32 to index
      %swap3A_480 = arith.constant 96 : index
      %swap3A_481 = tpu.vector_load %arg7[%swap3A_479, %swap3A_480] {strides = array<i32>} : memref<128x128xf32, #tpu.memory_space<vmem>>, vector<1x16xf32>,
      %swap3A_482 = vector.shape_cast %swap3A_481 : vector<1x16xf32> to vector<16xf32>
      %swap3A_483 = vector.shape_cast %scan3A_419#6 : vector<16xf32> to vector<1x16xf32>
      tpu.vector_store %arg7[%swap3A_479, %swap3A_480], %swap3A_483 {strides = array<i32>} : memref<128x128xf32, #tpu.memory_space<vmem>>, vector<1x16xf32>,
      %mul3A_484 = arith.constant 2 : i32
      %mul3A_485 = arith.muli %mul3A_484, %add3A_346 : i32
      %add3A_486 = arith.constant 0 : i32
      %add3A_487 = arith.addi %mul3A_485, %add3A_486 : i32
      %swap3A_488 = arith.index_cast %add3A_487 : i32 to index
      %swap3A_489 = arith.constant 112 : index
      %swap3A_490 = tpu.vector_load %arg7[%swap3A_488, %swap3A_489] {strides = array<i32>} : memref<128x128xf32, #tpu.memory_space<vmem>>, vector<1x16xf32>,
      %swap3A_491 = vector.shape_cast %swap3A_490 : vector<1x16xf32> to vector<16xf32>
      %swap3A_492 = vector.shape_cast %scan3A_419#7 : vector<16xf32> to vector<1x16xf32>
      tpu.vector_store %arg7[%swap3A_488, %swap3A_489], %swap3A_492 {strides = array<i32>} : memref<128x128xf32, #tpu.memory_space<vmem>>, vector<1x16xf32>,
      %get3A_493 = arith.constant 1 : i32
      %get3A_494 = arith.constant 50 : i32
      %get3A_495 = arith.index_cast %get3A_493 : i32 to index
      %get3A_496 = arith.index_cast %get3A_494 : i32 to index
      %get3A_497 = arith.constant 0 : index
      %get3A_498 = tpu.vector_load %arg6[%get3A_495, %get3A_496, %get3A_497] {strides = array<i32>} : memref<4x100x128xf32, #tpu.memory_space<vmem>>, vector<1x1x16xf32>,
      %get3A_499 = vector.shape_cast %get3A_498 : vector<1x1x16xf32> to vector<16xf32>
      %get3A_500 = arith.constant 1 : i32
      %get3A_501 = arith.constant 50 : i32
      %get3A_502 = arith.index_cast %get3A_500 : i32 to index
      %get3A_503 = arith.index_cast %get3A_501 : i32 to index
      %get3A_504 = arith.constant 16 : index
      %get3A_505 = tpu.vector_load %arg6[%get3A_502, %get3A_503, %get3A_504] {strides = array<i32>} : memref<4x100x128xf32, #tpu.memory_space<vmem>>, vector<1x1x16xf32>,
      %get3A_506 = vector.shape_cast %get3A_505 : vector<1x1x16xf32> to vector<16xf32>
      %get3A_507 = arith.constant 1 : i32
      %get3A_508 = arith.constant 50 : i32
      %get3A_509 = arith.index_cast %get3A_507 : i32 to index
      %get3A_510 = arith.index_cast %get3A_508 : i32 to index
      %get3A_511 = arith.constant 32 : index
      %get3A_512 = tpu.vector_load %arg6[%get3A_509, %get3A_510, %get3A_511] {strides = array<i32>} : memref<4x100x128xf32, #tpu.memory_space<vmem>>, vector<1x1x16xf32>,
      %get3A_513 = vector.shape_cast %get3A_512 : vector<1x1x16xf32> to vector<16xf32>
      %get3A_514 = arith.constant 1 : i32
      %get3A_515 = arith.constant 50 : i32
      %get3A_516 = arith.index_cast %get3A_514 : i32 to index
      %get3A_517 = arith.index_cast %get3A_515 : i32 to index
      %get3A_518 = arith.constant 48 : index
      %get3A_519 = tpu.vector_load %arg6[%get3A_516, %get3A_517, %get3A_518] {strides = array<i32>} : memref<4x100x128xf32, #tpu.memory_space<vmem>>, vector<1x1x16xf32>,
      %get3A_520 = vector.shape_cast %get3A_519 : vector<1x1x16xf32> to vector<16xf32>
      %get3A_521 = arith.constant 1 : i32
      %get3A_522 = arith.constant 50 : i32
      %get3A_523 = arith.index_cast %get3A_521 : i32 to index
      %get3A_524 = arith.index_cast %get3A_522 : i32 to index
      %get3A_525 = arith.constant 64 : index
      %get3A_526 = tpu.vector_load %arg6[%get3A_523, %get3A_524, %get3A_525] {strides = array<i32>} : memref<4x100x128xf32, #tpu.memory_space<vmem>>, vector<1x1x16xf32>,
      %get3A_527 = vector.shape_cast %get3A_526 : vector<1x1x16xf32> to vector<16xf32>
      %get3A_528 = arith.constant 1 : i32
      %get3A_529 = arith.constant 50 : i32
      %get3A_530 = arith.index_cast %get3A_528 : i32 to index
      %get3A_531 = arith.index_cast %get3A_529 : i32 to index
      %get3A_532 = arith.constant 80 : index
      %get3A_533 = tpu.vector_load %arg6[%get3A_530, %get3A_531, %get3A_532] {strides = array<i32>} : memref<4x100x128xf32, #tpu.memory_space<vmem>>, vector<1x1x16xf32>,
      %get3A_534 = vector.shape_cast %get3A_533 : vector<1x1x16xf32> to vector<16xf32>
      %get3A_535 = arith.constant 1 : i32
      %get3A_536 = arith.constant 50 : i32
      %get3A_537 = arith.index_cast %get3A_535 : i32 to index
      %get3A_538 = arith.index_cast %get3A_536 : i32 to index
      %get3A_539 = arith.constant 96 : index
      %get3A_540 = tpu.vector_load %arg6[%get3A_537, %get3A_538, %get3A_539] {strides = array<i32>} : memref<4x100x128xf32, #tpu.memory_space<vmem>>, vector<1x1x16xf32>,
      %get3A_541 = vector.shape_cast %get3A_540 : vector<1x1x16xf32> to vector<16xf32>
      %get3A_542 = arith.constant 1 : i32
      %get3A_543 = arith.constant 50 : i32
      %get3A_544 = arith.index_cast %get3A_542 : i32 to index
      %get3A_545 = arith.index_cast %get3A_543 : i32 to index
      %get3A_546 = arith.constant 112 : index
      %get3A_547 = tpu.vector_load %arg6[%get3A_544, %get3A_545, %get3A_546] {strides = array<i32>} : memref<4x100x128xf32, #tpu.memory_space<vmem>>, vector<1x1x16xf32>,
      %get3A_548 = vector.shape_cast %get3A_547 : vector<1x1x16xf32> to vector<16xf32>
      %scan3A_549 = arith.constant 51 : i32
      %scan3A_550 = arith.constant 49 : i32
      %scan3A_551 = arith.addi %scan3A_549, %scan3A_550 : i32
      %scan3A_552 = arith.constant 1 : i32
      %scan3A_553:8 = scf.for %scan3A_1216 = %scan3A_549 to %scan3A_551 step %scan3A_552 iter_args(%scan3A_1217 = %get3A_499, %scan3A_1218 = %get3A_506, %scan3A_1219 = %get3A_513, %scan3A_1220 = %get3A_520, %scan3A_1221 = %get3A_527, %scan3A_1222 = %get3A_534, %scan3A_1223 = %get3A_541, %scan3A_1224 = %get3A_548) -> (vector<16xf32>, vector<16xf32>, vector<16xf32>, vector<16xf32>, vector<16xf32>, vector<16xf32>, vector<16xf32>, vector<16xf32>)  : i32 {
        %get3A_1225 = arith.constant 1 : i32
        %get3A_1226 = arith.index_cast %get3A_1225 : i32 to index
        %get3A_1227 = arith.index_cast %scan3A_1216 : i32 to index
        %get3A_1228 = arith.constant 0 : index
        %get3A_1229 = tpu.vector_load %arg6[%get3A_1226, %get3A_1227, %get3A_1228] {strides = array<i32>} : memref<4x100x128xf32, #tpu.memory_space<vmem>>, vector<1x1x16xf32>,
        %get3A_1230 = vector.shape_cast %get3A_1229 : vector<1x1x16xf32> to vector<16xf32>
        %add3A_1231 = arith.addf %scan3A_1217, %get3A_1230 : vector<16xf32>
        %get3A_1232 = arith.constant 1 : i32
        %get3A_1233 = arith.index_cast %get3A_1232 : i32 to index
        %get3A_1234 = arith.index_cast %scan3A_1216 : i32 to index
        %get3A_1235 = arith.constant 16 : index
        %get3A_1236 = tpu.vector_load %arg6[%get3A_1233, %get3A_1234, %get3A_1235] {strides = array<i32>} : memref<4x100x128xf32, #tpu.memory_space<vmem>>, vector<1x1x16xf32>,
        %get3A_1237 = vector.shape_cast %get3A_1236 : vector<1x1x16xf32> to vector<16xf32>
        %add3A_1238 = arith.addf %scan3A_1218, %get3A_1237 : vector<16xf32>
        %get3A_1239 = arith.constant 1 : i32
        %get3A_1240 = arith.index_cast %get3A_1239 : i32 to index
        %get3A_1241 = arith.index_cast %scan3A_1216 : i32 to index
        %get3A_1242 = arith.constant 32 : index
        %get3A_1243 = tpu.vector_load %arg6[%get3A_1240, %get3A_1241, %get3A_1242] {strides = array<i32>} : memref<4x100x128xf32, #tpu.memory_space<vmem>>, vector<1x1x16xf32>,
        %get3A_1244 = vector.shape_cast %get3A_1243 : vector<1x1x16xf32> to vector<16xf32>
        %add3A_1245 = arith.addf %scan3A_1219, %get3A_1244 : vector<16xf32>
        %get3A_1246 = arith.constant 1 : i32
        %get3A_1247 = arith.index_cast %get3A_1246 : i32 to index
        %get3A_1248 = arith.index_cast %scan3A_1216 : i32 to index
        %get3A_1249 = arith.constant 48 : index
        %get3A_1250 = tpu.vector_load %arg6[%get3A_1247, %get3A_1248, %get3A_1249] {strides = array<i32>} : memref<4x100x128xf32, #tpu.memory_space<vmem>>, vector<1x1x16xf32>,
        %get3A_1251 = vector.shape_cast %get3A_1250 : vector<1x1x16xf32> to vector<16xf32>
        %add3A_1252 = arith.addf %scan3A_1220, %get3A_1251 : vector<16xf32>
        %get3A_1253 = arith.constant 1 : i32
        %get3A_1254 = arith.index_cast %get3A_1253 : i32 to index
        %get3A_1255 = arith.index_cast %scan3A_1216 : i32 to index
        %get3A_1256 = arith.constant 64 : index
        %get3A_1257 = tpu.vector_load %arg6[%get3A_1254, %get3A_1255, %get3A_1256] {strides = array<i32>} : memref<4x100x128xf32, #tpu.memory_space<vmem>>, vector<1x1x16xf32>,
        %get3A_1258 = vector.shape_cast %get3A_1257 : vector<1x1x16xf32> to vector<16xf32>
        %add3A_1259 = arith.addf %scan3A_1221, %get3A_1258 : vector<16xf32>
        %get3A_1260 = arith.constant 1 : i32
        %get3A_1261 = arith.index_cast %get3A_1260 : i32 to index
        %get3A_1262 = arith.index_cast %scan3A_1216 : i32 to index
        %get3A_1263 = arith.constant 80 : index
        %get3A_1264 = tpu.vector_load %arg6[%get3A_1261, %get3A_1262, %get3A_1263] {strides = array<i32>} : memref<4x100x128xf32, #tpu.memory_space<vmem>>, vector<1x1x16xf32>,
        %get3A_1265 = vector.shape_cast %get3A_1264 : vector<1x1x16xf32> to vector<16xf32>
        %add3A_1266 = arith.addf %scan3A_1222, %get3A_1265 : vector<16xf32>
        %get3A_1267 = arith.constant 1 : i32
        %get3A_1268 = arith.index_cast %get3A_1267 : i32 to index
        %get3A_1269 = arith.index_cast %scan3A_1216 : i32 to index
        %get3A_1270 = arith.constant 96 : index
        %get3A_1271 = tpu.vector_load %arg6[%get3A_1268, %get3A_1269, %get3A_1270] {strides = array<i32>} : memref<4x100x128xf32, #tpu.memory_space<vmem>>, vector<1x1x16xf32>,
        %get3A_1272 = vector.shape_cast %get3A_1271 : vector<1x1x16xf32> to vector<16xf32>
        %add3A_1273 = arith.addf %scan3A_1223, %get3A_1272 : vector<16xf32>
        %get3A_1274 = arith.constant 1 : i32
        %get3A_1275 = arith.index_cast %get3A_1274 : i32 to index
        %get3A_1276 = arith.index_cast %scan3A_1216 : i32 to index
        %get3A_1277 = arith.constant 112 : index
        %get3A_1278 = tpu.vector_load %arg6[%get3A_1275, %get3A_1276, %get3A_1277] {strides = array<i32>} : memref<4x100x128xf32, #tpu.memory_space<vmem>>, vector<1x1x16xf32>,
        %get3A_1279 = vector.shape_cast %get3A_1278 : vector<1x1x16xf32> to vector<16xf32>
        %add3A_1280 = arith.addf %scan3A_1224, %get3A_1279 : vector<16xf32>
        scf.yield %add3A_1231, %add3A_1238, %add3A_1245, %add3A_1252, %add3A_1259, %add3A_1266, %add3A_1273, %add3A_1280 : vector<16xf32>, vector<16xf32>, vector<16xf32>, vector<16xf32>, vector<16xf32>, vector<16xf32>, vector<16xf32>, vector<16xf32>
      }
      %scan3A_554 = arith.constant 49 : i32
      %mul3A_555 = arith.constant 2 : i32
      %mul3A_556 = arith.muli %mul3A_555, %add3A_346 : i32
      %add3A_557 = arith.constant 1 : i32
      %add3A_558 = arith.addi %mul3A_556, %add3A_557 : i32
      %swap3A_559 = arith.index_cast %add3A_558 : i32 to index
      %swap3A_560 = arith.constant 0 : index
      %swap3A_561 = tpu.vector_load %arg7[%swap3A_559, %swap3A_560] {strides = array<i32>} : memref<128x128xf32, #tpu.memory_space<vmem>>, vector<1x16xf32>,
      %swap3A_562 = vector.shape_cast %swap3A_561 : vector<1x16xf32> to vector<16xf32>
      %swap3A_563 = vector.shape_cast %scan3A_553#0 : vector<16xf32> to vector<1x16xf32>
      tpu.vector_store %arg7[%swap3A_559, %swap3A_560], %swap3A_563 {strides = array<i32>} : memref<128x128xf32, #tpu.memory_space<vmem>>, vector<1x16xf32>,
      %mul3A_564 = arith.constant 2 : i32
      %mul3A_565 = arith.muli %mul3A_564, %add3A_346 : i32
      %add3A_566 = arith.constant 1 : i32
      %add3A_567 = arith.addi %mul3A_565, %add3A_566 : i32
      %swap3A_568 = arith.index_cast %add3A_567 : i32 to index
      %swap3A_569 = arith.constant 16 : index
      %swap3A_570 = tpu.vector_load %arg7[%swap3A_568, %swap3A_569] {strides = array<i32>} : memref<128x128xf32, #tpu.memory_space<vmem>>, vector<1x16xf32>,
      %swap3A_571 = vector.shape_cast %swap3A_570 : vector<1x16xf32> to vector<16xf32>
      %swap3A_572 = vector.shape_cast %scan3A_553#1 : vector<16xf32> to vector<1x16xf32>
      tpu.vector_store %arg7[%swap3A_568, %swap3A_569], %swap3A_572 {strides = array<i32>} : memref<128x128xf32, #tpu.memory_space<vmem>>, vector<1x16xf32>,
      %mul3A_573 = arith.constant 2 : i32
      %mul3A_574 = arith.muli %mul3A_573, %add3A_346 : i32
      %add3A_575 = arith.constant 1 : i32
      %add3A_576 = arith.addi %mul3A_574, %add3A_575 : i32
      %swap3A_577 = arith.index_cast %add3A_576 : i32 to index
      %swap3A_578 = arith.constant 32 : index
      %swap3A_579 = tpu.vector_load %arg7[%swap3A_577, %swap3A_578] {strides = array<i32>} : memref<128x128xf32, #tpu.memory_space<vmem>>, vector<1x16xf32>,
      %swap3A_580 = vector.shape_cast %swap3A_579 : vector<1x16xf32> to vector<16xf32>
      %swap3A_581 = vector.shape_cast %scan3A_553#2 : vector<16xf32> to vector<1x16xf32>
      tpu.vector_store %arg7[%swap3A_577, %swap3A_578], %swap3A_581 {strides = array<i32>} : memref<128x128xf32, #tpu.memory_space<vmem>>, vector<1x16xf32>,
      %mul3A_582 = arith.constant 2 : i32
      %mul3A_583 = arith.muli %mul3A_582, %add3A_346 : i32
      %add3A_584 = arith.constant 1 : i32
      %add3A_585 = arith.addi %mul3A_583, %add3A_584 : i32
      %swap3A_586 = arith.index_cast %add3A_585 : i32 to index
      %swap3A_587 = arith.constant 48 : index
      %swap3A_588 = tpu.vector_load %arg7[%swap3A_586, %swap3A_587] {strides = array<i32>} : memref<128x128xf32, #tpu.memory_space<vmem>>, vector<1x16xf32>,
      %swap3A_589 = vector.shape_cast %swap3A_588 : vector<1x16xf32> to vector<16xf32>
      %swap3A_590 = vector.shape_cast %scan3A_553#3 : vector<16xf32> to vector<1x16xf32>
      tpu.vector_store %arg7[%swap3A_586, %swap3A_587], %swap3A_590 {strides = array<i32>} : memref<128x128xf32, #tpu.memory_space<vmem>>, vector<1x16xf32>,
      %mul3A_591 = arith.constant 2 : i32
      %mul3A_592 = arith.muli %mul3A_591, %add3A_346 : i32
      %add3A_593 = arith.constant 1 : i32
      %add3A_594 = arith.addi %mul3A_592, %add3A_593 : i32
      %swap3A_595 = arith.index_cast %add3A_594 : i32 to index
      %swap3A_596 = arith.constant 64 : index
      %swap3A_597 = tpu.vector_load %arg7[%swap3A_595, %swap3A_596] {strides = array<i32>} : memref<128x128xf32, #tpu.memory_space<vmem>>, vector<1x16xf32>,
      %swap3A_598 = vector.shape_cast %swap3A_597 : vector<1x16xf32> to vector<16xf32>
      %swap3A_599 = vector.shape_cast %scan3A_553#4 : vector<16xf32> to vector<1x16xf32>
      tpu.vector_store %arg7[%swap3A_595, %swap3A_596], %swap3A_599 {strides = array<i32>} : memref<128x128xf32, #tpu.memory_space<vmem>>, vector<1x16xf32>,
      %mul3A_600 = arith.constant 2 : i32
      %mul3A_601 = arith.muli %mul3A_600, %add3A_346 : i32
      %add3A_602 = arith.constant 1 : i32
      %add3A_603 = arith.addi %mul3A_601, %add3A_602 : i32
      %swap3A_604 = arith.index_cast %add3A_603 : i32 to index
      %swap3A_605 = arith.constant 80 : index
      %swap3A_606 = tpu.vector_load %arg7[%swap3A_604, %swap3A_605] {strides = array<i32>} : memref<128x128xf32, #tpu.memory_space<vmem>>, vector<1x16xf32>,
      %swap3A_607 = vector.shape_cast %swap3A_606 : vector<1x16xf32> to vector<16xf32>
      %swap3A_608 = vector.shape_cast %scan3A_553#5 : vector<16xf32> to vector<1x16xf32>
      tpu.vector_store %arg7[%swap3A_604, %swap3A_605], %swap3A_608 {strides = array<i32>} : memref<128x128xf32, #tpu.memory_space<vmem>>, vector<1x16xf32>,
      %mul3A_609 = arith.constant 2 : i32
      %mul3A_610 = arith.muli %mul3A_609, %add3A_346 : i32
      %add3A_611 = arith.constant 1 : i32
      %add3A_612 = arith.addi %mul3A_610, %add3A_611 : i32
      %swap3A_613 = arith.index_cast %add3A_612 : i32 to index
      %swap3A_614 = arith.constant 96 : index
      %swap3A_615 = tpu.vector_load %arg7[%swap3A_613, %swap3A_614] {strides = array<i32>} : memref<128x128xf32, #tpu.memory_space<vmem>>, vector<1x16xf32>,
      %swap3A_616 = vector.shape_cast %swap3A_615 : vector<1x16xf32> to vector<16xf32>
      %swap3A_617 = vector.shape_cast %scan3A_553#6 : vector<16xf32> to vector<1x16xf32>
      tpu.vector_store %arg7[%swap3A_613, %swap3A_614], %swap3A_617 {strides = array<i32>} : memref<128x128xf32, #tpu.memory_space<vmem>>, vector<1x16xf32>,
      %mul3A_618 = arith.constant 2 : i32
      %mul3A_619 = arith.muli %mul3A_618, %add3A_346 : i32
      %add3A_620 = arith.constant 1 : i32
      %add3A_621 = arith.addi %mul3A_619, %add3A_620 : i32
      %swap3A_622 = arith.index_cast %add3A_621 : i32 to index
      %swap3A_623 = arith.constant 112 : index
      %swap3A_624 = tpu.vector_load %arg7[%swap3A_622, %swap3A_623] {strides = array<i32>} : memref<128x128xf32, #tpu.memory_space<vmem>>, vector<1x16xf32>,
      %swap3A_625 = vector.shape_cast %swap3A_624 : vector<1x16xf32> to vector<16xf32>
      %swap3A_626 = vector.shape_cast %scan3A_553#7 : vector<16xf32> to vector<1x16xf32>
      tpu.vector_store %arg7[%swap3A_622, %swap3A_623], %swap3A_626 {strides = array<i32>} : memref<128x128xf32, #tpu.memory_space<vmem>>, vector<1x16xf32>,
      %add3A_627 = arith.constant 4 : i32
      %add3A_628 = arith.addi %add3A_346, %add3A_627 : i32
      %lt3A_629 = arith.constant 64 : i32
      %lt3A_630 = arith.cmpi slt, %add3A_628, %lt3A_629 : i32
      %convert_element_type3A_631 = arith.extui %lt3A_630 : i1 to i32
      %cond3A_632 = arith.constant 0 : i32
      %cond3A_633 = arith.cmpi ne, %convert_element_type3A_631, %cond3A_632 : i32
      scf.if %cond3A_633 {
        %dma_start3A_1216 = arith.constant 1 : i32
        %dma_start3A_1217 = arith.constant 0 : i32
        %dma_start3A_1218 = arith.constant 0 : i32
        %dma_start3A_1219 = tpu.memref_slice %arg6[%dma_start3A_1216, %dma_start3A_1217, %dma_start3A_1218] : memref<4x100x128xf32, #tpu.memory_space<vmem>> -> memref<1x100x128xf32, #tpu.memory_space<vmem>>
        %dma_start3A_1220 = tpu.memref_squeeze %dma_start3A_1219 : memref<1x100x128xf32, #tpu.memory_space<vmem>> -> memref<100x128xf32, #tpu.memory_space<vmem>>
        %dma_start3A_1221 = arith.constant 0 : i32
        %dma_start3A_1222 = tpu.memref_slice %arg5[%add3A_628, %dma_start3A_1221] : memref<64x100xi32, #tpu.memory_space<vmem>> -> memref<1x100xi32, #tpu.memory_space<vmem>>
        %dma_start3A_1223 = tpu.memref_squeeze %dma_start3A_1222 : memref<1x100xi32, #tpu.memory_space<vmem>> -> memref<100xi32, #tpu.memory_space<vmem>>
        %dma_start3A_1224 = arith.constant 0 : i32
        %dma_start3A_1225 = arith.constant 0 : i32
        %dma_start3A_1226 = tpu.memref_slice %arg3[%dma_start3A_1224, %dma_start3A_1225] : memref<100000x128xf32, #tpu.memory_space<hbm>> -> memref<100000x128xf32, #tpu.memory_space<hbm>>
        tpu.enqueue_indirect_dma source(%dma_start3A_1226 : memref<100000x128xf32, #tpu.memory_space<hbm>>) target(%dma_start3A_1220 : memref<100x128xf32, #tpu.memory_space<vmem>>) offsets(%dma_start3A_1223 : memref<100xi32, #tpu.memory_space<vmem>>) semaphore(%arg9 : memref<!tpu.dma_semaphore, #tpu.memory_space<semaphore_mem>>)
      } else {
      }
      %mul3A_634 = arith.constant 4 : i32
      %mul3A_635 = arith.muli %mul3A_634, %scan3A_57 : i32
      %add3A_636 = arith.constant 2 : i32
      %add3A_637 = arith.addi %mul3A_635, %add3A_636 : i32
      %dma_wait3A_638 = arith.constant 0 : i32
      %dma_wait3A_639 = arith.constant 2 : i32
      %dma_wait3A_640 = arith.constant 0 : i32
      %dma_wait3A_641 = arith.constant 0 : i32
      %dma_wait3A_642 = tpu.memref_slice %arg6[%dma_wait3A_639, %dma_wait3A_640, %dma_wait3A_641] : memref<4x100x128xf32, #tpu.memory_space<vmem>> -> memref<1x100x128xf32, #tpu.memory_space<vmem>>
      %dma_wait3A_643 = tpu.memref_squeeze %dma_wait3A_642 : memref<1x100x128xf32, #tpu.memory_space<vmem>> -> memref<100x128xf32, #tpu.memory_space<vmem>>
      %dma_wait3A_644 = arith.constant 0 : i32
      %dma_wait3A_645 = tpu.memref_slice %arg5[%dma_wait3A_638, %dma_wait3A_644] : memref<64x100xi32, #tpu.memory_space<vmem>> -> memref<1x100xi32, #tpu.memory_space<vmem>>
      %dma_wait3A_646 = tpu.memref_squeeze %dma_wait3A_645 : memref<1x100xi32, #tpu.memory_space<vmem>> -> memref<100xi32, #tpu.memory_space<vmem>>
      %dma_wait3A_647 = arith.constant 0 : i32
      %dma_wait3A_648 = arith.constant 0 : i32
      %dma_wait3A_649 = tpu.memref_slice %arg3[%dma_wait3A_647, %dma_wait3A_648] : memref<100000x128xf32, #tpu.memory_space<hbm>> -> memref<100000x128xf32, #tpu.memory_space<hbm>>
      tpu.wait_indirect_dma semaphore(%arg10 : memref<!tpu.dma_semaphore, #tpu.memory_space<semaphore_mem>>) src(%dma_wait3A_649 : memref<100000x128xf32, #tpu.memory_space<hbm>>) dst(%dma_wait3A_643 : memref<100x128xf32, #tpu.memory_space<vmem>>)
      %get3A_650 = arith.constant 2 : i32
      %get3A_651 = arith.constant 0 : i32
      %get3A_652 = arith.index_cast %get3A_650 : i32 to index
      %get3A_653 = arith.index_cast %get3A_651 : i32 to index
      %get3A_654 = arith.constant 0 : index
      %get3A_655 = tpu.vector_load %arg6[%get3A_652, %get3A_653, %get3A_654] {strides = array<i32>} : memref<4x100x128xf32, #tpu.memory_space<vmem>>, vector<1x1x16xf32>,
      %get3A_656 = vector.shape_cast %get3A_655 : vector<1x1x16xf32> to vector<16xf32>
      %get3A_657 = arith.constant 2 : i32
      %get3A_658 = arith.constant 0 : i32
      %get3A_659 = arith.index_cast %get3A_657 : i32 to index
      %get3A_660 = arith.index_cast %get3A_658 : i32 to index
      %get3A_661 = arith.constant 16 : index
      %get3A_662 = tpu.vector_load %arg6[%get3A_659, %get3A_660, %get3A_661] {strides = array<i32>} : memref<4x100x128xf32, #tpu.memory_space<vmem>>, vector<1x1x16xf32>,
      %get3A_663 = vector.shape_cast %get3A_662 : vector<1x1x16xf32> to vector<16xf32>
      %get3A_664 = arith.constant 2 : i32
      %get3A_665 = arith.constant 0 : i32
      %get3A_666 = arith.index_cast %get3A_664 : i32 to index
      %get3A_667 = arith.index_cast %get3A_665 : i32 to index
      %get3A_668 = arith.constant 32 : index
      %get3A_669 = tpu.vector_load %arg6[%get3A_666, %get3A_667, %get3A_668] {strides = array<i32>} : memref<4x100x128xf32, #tpu.memory_space<vmem>>, vector<1x1x16xf32>,
      %get3A_670 = vector.shape_cast %get3A_669 : vector<1x1x16xf32> to vector<16xf32>
      %get3A_671 = arith.constant 2 : i32
      %get3A_672 = arith.constant 0 : i32
      %get3A_673 = arith.index_cast %get3A_671 : i32 to index
      %get3A_674 = arith.index_cast %get3A_672 : i32 to index
      %get3A_675 = arith.constant 48 : index
      %get3A_676 = tpu.vector_load %arg6[%get3A_673, %get3A_674, %get3A_675] {strides = array<i32>} : memref<4x100x128xf32, #tpu.memory_space<vmem>>, vector<1x1x16xf32>,
      %get3A_677 = vector.shape_cast %get3A_676 : vector<1x1x16xf32> to vector<16xf32>
      %get3A_678 = arith.constant 2 : i32
      %get3A_679 = arith.constant 0 : i32
      %get3A_680 = arith.index_cast %get3A_678 : i32 to index
      %get3A_681 = arith.index_cast %get3A_679 : i32 to index
      %get3A_682 = arith.constant 64 : index
      %get3A_683 = tpu.vector_load %arg6[%get3A_680, %get3A_681, %get3A_682] {strides = array<i32>} : memref<4x100x128xf32, #tpu.memory_space<vmem>>, vector<1x1x16xf32>,
      %get3A_684 = vector.shape_cast %get3A_683 : vector<1x1x16xf32> to vector<16xf32>
      %get3A_685 = arith.constant 2 : i32
      %get3A_686 = arith.constant 0 : i32
      %get3A_687 = arith.index_cast %get3A_685 : i32 to index
      %get3A_688 = arith.index_cast %get3A_686 : i32 to index
      %get3A_689 = arith.constant 80 : index
      %get3A_690 = tpu.vector_load %arg6[%get3A_687, %get3A_688, %get3A_689] {strides = array<i32>} : memref<4x100x128xf32, #tpu.memory_space<vmem>>, vector<1x1x16xf32>,
      %get3A_691 = vector.shape_cast %get3A_690 : vector<1x1x16xf32> to vector<16xf32>
      %get3A_692 = arith.constant 2 : i32
      %get3A_693 = arith.constant 0 : i32
      %get3A_694 = arith.index_cast %get3A_692 : i32 to index
      %get3A_695 = arith.index_cast %get3A_693 : i32 to index
      %get3A_696 = arith.constant 96 : index
      %get3A_697 = tpu.vector_load %arg6[%get3A_694, %get3A_695, %get3A_696] {strides = array<i32>} : memref<4x100x128xf32, #tpu.memory_space<vmem>>, vector<1x1x16xf32>,
      %get3A_698 = vector.shape_cast %get3A_697 : vector<1x1x16xf32> to vector<16xf32>
      %get3A_699 = arith.constant 2 : i32
      %get3A_700 = arith.constant 0 : i32
      %get3A_701 = arith.index_cast %get3A_699 : i32 to index
      %get3A_702 = arith.index_cast %get3A_700 : i32 to index
      %get3A_703 = arith.constant 112 : index
      %get3A_704 = tpu.vector_load %arg6[%get3A_701, %get3A_702, %get3A_703] {strides = array<i32>} : memref<4x100x128xf32, #tpu.memory_space<vmem>>, vector<1x1x16xf32>,
      %get3A_705 = vector.shape_cast %get3A_704 : vector<1x1x16xf32> to vector<16xf32>
      %scan3A_706 = arith.constant 1 : i32
      %scan3A_707 = arith.constant 49 : i32
      %scan3A_708 = arith.addi %scan3A_706, %scan3A_707 : i32
      %scan3A_709 = arith.constant 1 : i32
      %scan3A_710:8 = scf.for %scan3A_1216 = %scan3A_706 to %scan3A_708 step %scan3A_709 iter_args(%scan3A_1217 = %get3A_656, %scan3A_1218 = %get3A_663, %scan3A_1219 = %get3A_670, %scan3A_1220 = %get3A_677, %scan3A_1221 = %get3A_684, %scan3A_1222 = %get3A_691, %scan3A_1223 = %get3A_698, %scan3A_1224 = %get3A_705) -> (vector<16xf32>, vector<16xf32>, vector<16xf32>, vector<16xf32>, vector<16xf32>, vector<16xf32>, vector<16xf32>, vector<16xf32>)  : i32 {
        %get3A_1225 = arith.constant 2 : i32
        %get3A_1226 = arith.index_cast %get3A_1225 : i32 to index
        %get3A_1227 = arith.index_cast %scan3A_1216 : i32 to index
        %get3A_1228 = arith.constant 0 : index
        %get3A_1229 = tpu.vector_load %arg6[%get3A_1226, %get3A_1227, %get3A_1228] {strides = array<i32>} : memref<4x100x128xf32, #tpu.memory_space<vmem>>, vector<1x1x16xf32>,
        %get3A_1230 = vector.shape_cast %get3A_1229 : vector<1x1x16xf32> to vector<16xf32>
        %add3A_1231 = arith.addf %scan3A_1217, %get3A_1230 : vector<16xf32>
        %get3A_1232 = arith.constant 2 : i32
        %get3A_1233 = arith.index_cast %get3A_1232 : i32 to index
        %get3A_1234 = arith.index_cast %scan3A_1216 : i32 to index
        %get3A_1235 = arith.constant 16 : index
        %get3A_1236 = tpu.vector_load %arg6[%get3A_1233, %get3A_1234, %get3A_1235] {strides = array<i32>} : memref<4x100x128xf32, #tpu.memory_space<vmem>>, vector<1x1x16xf32>,
        %get3A_1237 = vector.shape_cast %get3A_1236 : vector<1x1x16xf32> to vector<16xf32>
        %add3A_1238 = arith.addf %scan3A_1218, %get3A_1237 : vector<16xf32>
        %get3A_1239 = arith.constant 2 : i32
        %get3A_1240 = arith.index_cast %get3A_1239 : i32 to index
        %get3A_1241 = arith.index_cast %scan3A_1216 : i32 to index
        %get3A_1242 = arith.constant 32 : index
        %get3A_1243 = tpu.vector_load %arg6[%get3A_1240, %get3A_1241, %get3A_1242] {strides = array<i32>} : memref<4x100x128xf32, #tpu.memory_space<vmem>>, vector<1x1x16xf32>,
        %get3A_1244 = vector.shape_cast %get3A_1243 : vector<1x1x16xf32> to vector<16xf32>
        %add3A_1245 = arith.addf %scan3A_1219, %get3A_1244 : vector<16xf32>
        %get3A_1246 = arith.constant 2 : i32
        %get3A_1247 = arith.index_cast %get3A_1246 : i32 to index
        %get3A_1248 = arith.index_cast %scan3A_1216 : i32 to index
        %get3A_1249 = arith.constant 48 : index
        %get3A_1250 = tpu.vector_load %arg6[%get3A_1247, %get3A_1248, %get3A_1249] {strides = array<i32>} : memref<4x100x128xf32, #tpu.memory_space<vmem>>, vector<1x1x16xf32>,
        %get3A_1251 = vector.shape_cast %get3A_1250 : vector<1x1x16xf32> to vector<16xf32>
        %add3A_1252 = arith.addf %scan3A_1220, %get3A_1251 : vector<16xf32>
        %get3A_1253 = arith.constant 2 : i32
        %get3A_1254 = arith.index_cast %get3A_1253 : i32 to index
        %get3A_1255 = arith.index_cast %scan3A_1216 : i32 to index
        %get3A_1256 = arith.constant 64 : index
        %get3A_1257 = tpu.vector_load %arg6[%get3A_1254, %get3A_1255, %get3A_1256] {strides = array<i32>} : memref<4x100x128xf32, #tpu.memory_space<vmem>>, vector<1x1x16xf32>,
        %get3A_1258 = vector.shape_cast %get3A_1257 : vector<1x1x16xf32> to vector<16xf32>
        %add3A_1259 = arith.addf %scan3A_1221, %get3A_1258 : vector<16xf32>
        %get3A_1260 = arith.constant 2 : i32
        %get3A_1261 = arith.index_cast %get3A_1260 : i32 to index
        %get3A_1262 = arith.index_cast %scan3A_1216 : i32 to index
        %get3A_1263 = arith.constant 80 : index
        %get3A_1264 = tpu.vector_load %arg6[%get3A_1261, %get3A_1262, %get3A_1263] {strides = array<i32>} : memref<4x100x128xf32, #tpu.memory_space<vmem>>, vector<1x1x16xf32>,
        %get3A_1265 = vector.shape_cast %get3A_1264 : vector<1x1x16xf32> to vector<16xf32>
        %add3A_1266 = arith.addf %scan3A_1222, %get3A_1265 : vector<16xf32>
        %get3A_1267 = arith.constant 2 : i32
        %get3A_1268 = arith.index_cast %get3A_1267 : i32 to index
        %get3A_1269 = arith.index_cast %scan3A_1216 : i32 to index
        %get3A_1270 = arith.constant 96 : index
        %get3A_1271 = tpu.vector_load %arg6[%get3A_1268, %get3A_1269, %get3A_1270] {strides = array<i32>} : memref<4x100x128xf32, #tpu.memory_space<vmem>>, vector<1x1x16xf32>,
        %get3A_1272 = vector.shape_cast %get3A_1271 : vector<1x1x16xf32> to vector<16xf32>
        %add3A_1273 = arith.addf %scan3A_1223, %get3A_1272 : vector<16xf32>
        %get3A_1274 = arith.constant 2 : i32
        %get3A_1275 = arith.index_cast %get3A_1274 : i32 to index
        %get3A_1276 = arith.index_cast %scan3A_1216 : i32 to index
        %get3A_1277 = arith.constant 112 : index
        %get3A_1278 = tpu.vector_load %arg6[%get3A_1275, %get3A_1276, %get3A_1277] {strides = array<i32>} : memref<4x100x128xf32, #tpu.memory_space<vmem>>, vector<1x1x16xf32>,
        %get3A_1279 = vector.shape_cast %get3A_1278 : vector<1x1x16xf32> to vector<16xf32>
        %add3A_1280 = arith.addf %scan3A_1224, %get3A_1279 : vector<16xf32>
        scf.yield %add3A_1231, %add3A_1238, %add3A_1245, %add3A_1252, %add3A_1259, %add3A_1266, %add3A_1273, %add3A_1280 : vector<16xf32>, vector<16xf32>, vector<16xf32>, vector<16xf32>, vector<16xf32>, vector<16xf32>, vector<16xf32>, vector<16xf32>
      }
      %scan3A_711 = arith.constant 49 : i32
      %mul3A_712 = arith.constant 2 : i32
      %mul3A_713 = arith.muli %mul3A_712, %add3A_637 : i32
      %add3A_714 = arith.constant 0 : i32
      %add3A_715 = arith.addi %mul3A_713, %add3A_714 : i32
      %swap3A_716 = arith.index_cast %add3A_715 : i32 to index
      %swap3A_717 = arith.constant 0 : index
      %swap3A_718 = tpu.vector_load %arg7[%swap3A_716, %swap3A_717] {strides = array<i32>} : memref<128x128xf32, #tpu.memory_space<vmem>>, vector<1x16xf32>,
      %swap3A_719 = vector.shape_cast %swap3A_718 : vector<1x16xf32> to vector<16xf32>
      %swap3A_720 = vector.shape_cast %scan3A_710#0 : vector<16xf32> to vector<1x16xf32>
      tpu.vector_store %arg7[%swap3A_716, %swap3A_717], %swap3A_720 {strides = array<i32>} : memref<128x128xf32, #tpu.memory_space<vmem>>, vector<1x16xf32>,
      %mul3A_721 = arith.constant 2 : i32
      %mul3A_722 = arith.muli %mul3A_721, %add3A_637 : i32
      %add3A_723 = arith.constant 0 : i32
      %add3A_724 = arith.addi %mul3A_722, %add3A_723 : i32
      %swap3A_725 = arith.index_cast %add3A_724 : i32 to index
      %swap3A_726 = arith.constant 16 : index
      %swap3A_727 = tpu.vector_load %arg7[%swap3A_725, %swap3A_726] {strides = array<i32>} : memref<128x128xf32, #tpu.memory_space<vmem>>, vector<1x16xf32>,
      %swap3A_728 = vector.shape_cast %swap3A_727 : vector<1x16xf32> to vector<16xf32>
      %swap3A_729 = vector.shape_cast %scan3A_710#1 : vector<16xf32> to vector<1x16xf32>
      tpu.vector_store %arg7[%swap3A_725, %swap3A_726], %swap3A_729 {strides = array<i32>} : memref<128x128xf32, #tpu.memory_space<vmem>>, vector<1x16xf32>,
      %mul3A_730 = arith.constant 2 : i32
      %mul3A_731 = arith.muli %mul3A_730, %add3A_637 : i32
      %add3A_732 = arith.constant 0 : i32
      %add3A_733 = arith.addi %mul3A_731, %add3A_732 : i32
      %swap3A_734 = arith.index_cast %add3A_733 : i32 to index
      %swap3A_735 = arith.constant 32 : index
      %swap3A_736 = tpu.vector_load %arg7[%swap3A_734, %swap3A_735] {strides = array<i32>} : memref<128x128xf32, #tpu.memory_space<vmem>>, vector<1x16xf32>,
      %swap3A_737 = vector.shape_cast %swap3A_736 : vector<1x16xf32> to vector<16xf32>
      %swap3A_738 = vector.shape_cast %scan3A_710#2 : vector<16xf32> to vector<1x16xf32>
      tpu.vector_store %arg7[%swap3A_734, %swap3A_735], %swap3A_738 {strides = array<i32>} : memref<128x128xf32, #tpu.memory_space<vmem>>, vector<1x16xf32>,
      %mul3A_739 = arith.constant 2 : i32
      %mul3A_740 = arith.muli %mul3A_739, %add3A_637 : i32
      %add3A_741 = arith.constant 0 : i32
      %add3A_742 = arith.addi %mul3A_740, %add3A_741 : i32
      %swap3A_743 = arith.index_cast %add3A_742 : i32 to index
      %swap3A_744 = arith.constant 48 : index
      %swap3A_745 = tpu.vector_load %arg7[%swap3A_743, %swap3A_744] {strides = array<i32>} : memref<128x128xf32, #tpu.memory_space<vmem>>, vector<1x16xf32>,
      %swap3A_746 = vector.shape_cast %swap3A_745 : vector<1x16xf32> to vector<16xf32>
      %swap3A_747 = vector.shape_cast %scan3A_710#3 : vector<16xf32> to vector<1x16xf32>
      tpu.vector_store %arg7[%swap3A_743, %swap3A_744], %swap3A_747 {strides = array<i32>} : memref<128x128xf32, #tpu.memory_space<vmem>>, vector<1x16xf32>,
      %mul3A_748 = arith.constant 2 : i32
      %mul3A_749 = arith.muli %mul3A_748, %add3A_637 : i32
      %add3A_750 = arith.constant 0 : i32
      %add3A_751 = arith.addi %mul3A_749, %add3A_750 : i32
      %swap3A_752 = arith.index_cast %add3A_751 : i32 to index
      %swap3A_753 = arith.constant 64 : index
      %swap3A_754 = tpu.vector_load %arg7[%swap3A_752, %swap3A_753] {strides = array<i32>} : memref<128x128xf32, #tpu.memory_space<vmem>>, vector<1x16xf32>,
      %swap3A_755 = vector.shape_cast %swap3A_754 : vector<1x16xf32> to vector<16xf32>
      %swap3A_756 = vector.shape_cast %scan3A_710#4 : vector<16xf32> to vector<1x16xf32>
      tpu.vector_store %arg7[%swap3A_752, %swap3A_753], %swap3A_756 {strides = array<i32>} : memref<128x128xf32, #tpu.memory_space<vmem>>, vector<1x16xf32>,
      %mul3A_757 = arith.constant 2 : i32
      %mul3A_758 = arith.muli %mul3A_757, %add3A_637 : i32
      %add3A_759 = arith.constant 0 : i32
      %add3A_760 = arith.addi %mul3A_758, %add3A_759 : i32
      %swap3A_761 = arith.index_cast %add3A_760 : i32 to index
      %swap3A_762 = arith.constant 80 : index
      %swap3A_763 = tpu.vector_load %arg7[%swap3A_761, %swap3A_762] {strides = array<i32>} : memref<128x128xf32, #tpu.memory_space<vmem>>, vector<1x16xf32>,
      %swap3A_764 = vector.shape_cast %swap3A_763 : vector<1x16xf32> to vector<16xf32>
      %swap3A_765 = vector.shape_cast %scan3A_710#5 : vector<16xf32> to vector<1x16xf32>
      tpu.vector_store %arg7[%swap3A_761, %swap3A_762], %swap3A_765 {strides = array<i32>} : memref<128x128xf32, #tpu.memory_space<vmem>>, vector<1x16xf32>,
      %mul3A_766 = arith.constant 2 : i32
      %mul3A_767 = arith.muli %mul3A_766, %add3A_637 : i32
      %add3A_768 = arith.constant 0 : i32
      %add3A_769 = arith.addi %mul3A_767, %add3A_768 : i32
      %swap3A_770 = arith.index_cast %add3A_769 : i32 to index
      %swap3A_771 = arith.constant 96 : index
      %swap3A_772 = tpu.vector_load %arg7[%swap3A_770, %swap3A_771] {strides = array<i32>} : memref<128x128xf32, #tpu.memory_space<vmem>>, vector<1x16xf32>,
      %swap3A_773 = vector.shape_cast %swap3A_772 : vector<1x16xf32> to vector<16xf32>
      %swap3A_774 = vector.shape_cast %scan3A_710#6 : vector<16xf32> to vector<1x16xf32>
      tpu.vector_store %arg7[%swap3A_770, %swap3A_771], %swap3A_774 {strides = array<i32>} : memref<128x128xf32, #tpu.memory_space<vmem>>, vector<1x16xf32>,
      %mul3A_775 = arith.constant 2 : i32
      %mul3A_776 = arith.muli %mul3A_775, %add3A_637 : i32
      %add3A_777 = arith.constant 0 : i32
      %add3A_778 = arith.addi %mul3A_776, %add3A_777 : i32
      %swap3A_779 = arith.index_cast %add3A_778 : i32 to index
      %swap3A_780 = arith.constant 112 : index
      %swap3A_781 = tpu.vector_load %arg7[%swap3A_779, %swap3A_780] {strides = array<i32>} : memref<128x128xf32, #tpu.memory_space<vmem>>, vector<1x16xf32>,
      %swap3A_782 = vector.shape_cast %swap3A_781 : vector<1x16xf32> to vector<16xf32>
      %swap3A_783 = vector.shape_cast %scan3A_710#7 : vector<16xf32> to vector<1x16xf32>
      tpu.vector_store %arg7[%swap3A_779, %swap3A_780], %swap3A_783 {strides = array<i32>} : memref<128x128xf32, #tpu.memory_space<vmem>>, vector<1x16xf32>,
      %get3A_784 = arith.constant 2 : i32
      %get3A_785 = arith.constant 50 : i32
      %get3A_786 = arith.index_cast %get3A_784 : i32 to index
      %get3A_787 = arith.index_cast %get3A_785 : i32 to index
      %get3A_788 = arith.constant 0 : index
      %get3A_789 = tpu.vector_load %arg6[%get3A_786, %get3A_787, %get3A_788] {strides = array<i32>} : memref<4x100x128xf32, #tpu.memory_space<vmem>>, vector<1x1x16xf32>,
      %get3A_790 = vector.shape_cast %get3A_789 : vector<1x1x16xf32> to vector<16xf32>
      %get3A_791 = arith.constant 2 : i32
      %get3A_792 = arith.constant 50 : i32
      %get3A_793 = arith.index_cast %get3A_791 : i32 to index
      %get3A_794 = arith.index_cast %get3A_792 : i32 to index
      %get3A_795 = arith.constant 16 : index
      %get3A_796 = tpu.vector_load %arg6[%get3A_793, %get3A_794, %get3A_795] {strides = array<i32>} : memref<4x100x128xf32, #tpu.memory_space<vmem>>, vector<1x1x16xf32>,
      %get3A_797 = vector.shape_cast %get3A_796 : vector<1x1x16xf32> to vector<16xf32>
      %get3A_798 = arith.constant 2 : i32
      %get3A_799 = arith.constant 50 : i32
      %get3A_800 = arith.index_cast %get3A_798 : i32 to index
      %get3A_801 = arith.index_cast %get3A_799 : i32 to index
      %get3A_802 = arith.constant 32 : index
      %get3A_803 = tpu.vector_load %arg6[%get3A_800, %get3A_801, %get3A_802] {strides = array<i32>} : memref<4x100x128xf32, #tpu.memory_space<vmem>>, vector<1x1x16xf32>,
      %get3A_804 = vector.shape_cast %get3A_803 : vector<1x1x16xf32> to vector<16xf32>
      %get3A_805 = arith.constant 2 : i32
      %get3A_806 = arith.constant 50 : i32
      %get3A_807 = arith.index_cast %get3A_805 : i32 to index
      %get3A_808 = arith.index_cast %get3A_806 : i32 to index
      %get3A_809 = arith.constant 48 : index
      %get3A_810 = tpu.vector_load %arg6[%get3A_807, %get3A_808, %get3A_809] {strides = array<i32>} : memref<4x100x128xf32, #tpu.memory_space<vmem>>, vector<1x1x16xf32>,
      %get3A_811 = vector.shape_cast %get3A_810 : vector<1x1x16xf32> to vector<16xf32>
      %get3A_812 = arith.constant 2 : i32
      %get3A_813 = arith.constant 50 : i32
      %get3A_814 = arith.index_cast %get3A_812 : i32 to index
      %get3A_815 = arith.index_cast %get3A_813 : i32 to index
      %get3A_816 = arith.constant 64 : index
      %get3A_817 = tpu.vector_load %arg6[%get3A_814, %get3A_815, %get3A_816] {strides = array<i32>} : memref<4x100x128xf32, #tpu.memory_space<vmem>>, vector<1x1x16xf32>,
      %get3A_818 = vector.shape_cast %get3A_817 : vector<1x1x16xf32> to vector<16xf32>
      %get3A_819 = arith.constant 2 : i32
      %get3A_820 = arith.constant 50 : i32
      %get3A_821 = arith.index_cast %get3A_819 : i32 to index
      %get3A_822 = arith.index_cast %get3A_820 : i32 to index
      %get3A_823 = arith.constant 80 : index
      %get3A_824 = tpu.vector_load %arg6[%get3A_821, %get3A_822, %get3A_823] {strides = array<i32>} : memref<4x100x128xf32, #tpu.memory_space<vmem>>, vector<1x1x16xf32>,
      %get3A_825 = vector.shape_cast %get3A_824 : vector<1x1x16xf32> to vector<16xf32>
      %get3A_826 = arith.constant 2 : i32
      %get3A_827 = arith.constant 50 : i32
      %get3A_828 = arith.index_cast %get3A_826 : i32 to index
      %get3A_829 = arith.index_cast %get3A_827 : i32 to index
      %get3A_830 = arith.constant 96 : index
      %get3A_831 = tpu.vector_load %arg6[%get3A_828, %get3A_829, %get3A_830] {strides = array<i32>} : memref<4x100x128xf32, #tpu.memory_space<vmem>>, vector<1x1x16xf32>,
      %get3A_832 = vector.shape_cast %get3A_831 : vector<1x1x16xf32> to vector<16xf32>
      %get3A_833 = arith.constant 2 : i32
      %get3A_834 = arith.constant 50 : i32
      %get3A_835 = arith.index_cast %get3A_833 : i32 to index
      %get3A_836 = arith.index_cast %get3A_834 : i32 to index
      %get3A_837 = arith.constant 112 : index
      %get3A_838 = tpu.vector_load %arg6[%get3A_835, %get3A_836, %get3A_837] {strides = array<i32>} : memref<4x100x128xf32, #tpu.memory_space<vmem>>, vector<1x1x16xf32>,
      %get3A_839 = vector.shape_cast %get3A_838 : vector<1x1x16xf32> to vector<16xf32>
      %scan3A_840 = arith.constant 51 : i32
      %scan3A_841 = arith.constant 49 : i32
      %scan3A_842 = arith.addi %scan3A_840, %scan3A_841 : i32
      %scan3A_843 = arith.constant 1 : i32
      %scan3A_844:8 = scf.for %scan3A_1216 = %scan3A_840 to %scan3A_842 step %scan3A_843 iter_args(%scan3A_1217 = %get3A_790, %scan3A_1218 = %get3A_797, %scan3A_1219 = %get3A_804, %scan3A_1220 = %get3A_811, %scan3A_1221 = %get3A_818, %scan3A_1222 = %get3A_825, %scan3A_1223 = %get3A_832, %scan3A_1224 = %get3A_839) -> (vector<16xf32>, vector<16xf32>, vector<16xf32>, vector<16xf32>, vector<16xf32>, vector<16xf32>, vector<16xf32>, vector<16xf32>)  : i32 {
        %get3A_1225 = arith.constant 2 : i32
        %get3A_1226 = arith.index_cast %get3A_1225 : i32 to index
        %get3A_1227 = arith.index_cast %scan3A_1216 : i32 to index
        %get3A_1228 = arith.constant 0 : index
        %get3A_1229 = tpu.vector_load %arg6[%get3A_1226, %get3A_1227, %get3A_1228] {strides = array<i32>} : memref<4x100x128xf32, #tpu.memory_space<vmem>>, vector<1x1x16xf32>,
        %get3A_1230 = vector.shape_cast %get3A_1229 : vector<1x1x16xf32> to vector<16xf32>
        %add3A_1231 = arith.addf %scan3A_1217, %get3A_1230 : vector<16xf32>
        %get3A_1232 = arith.constant 2 : i32
        %get3A_1233 = arith.index_cast %get3A_1232 : i32 to index
        %get3A_1234 = arith.index_cast %scan3A_1216 : i32 to index
        %get3A_1235 = arith.constant 16 : index
        %get3A_1236 = tpu.vector_load %arg6[%get3A_1233, %get3A_1234, %get3A_1235] {strides = array<i32>} : memref<4x100x128xf32, #tpu.memory_space<vmem>>, vector<1x1x16xf32>,
        %get3A_1237 = vector.shape_cast %get3A_1236 : vector<1x1x16xf32> to vector<16xf32>
        %add3A_1238 = arith.addf %scan3A_1218, %get3A_1237 : vector<16xf32>
        %get3A_1239 = arith.constant 2 : i32
        %get3A_1240 = arith.index_cast %get3A_1239 : i32 to index
        %get3A_1241 = arith.index_cast %scan3A_1216 : i32 to index
        %get3A_1242 = arith.constant 32 : index
        %get3A_1243 = tpu.vector_load %arg6[%get3A_1240, %get3A_1241, %get3A_1242] {strides = array<i32>} : memref<4x100x128xf32, #tpu.memory_space<vmem>>, vector<1x1x16xf32>,
        %get3A_1244 = vector.shape_cast %get3A_1243 : vector<1x1x16xf32> to vector<16xf32>
        %add3A_1245 = arith.addf %scan3A_1219, %get3A_1244 : vector<16xf32>
        %get3A_1246 = arith.constant 2 : i32
        %get3A_1247 = arith.index_cast %get3A_1246 : i32 to index
        %get3A_1248 = arith.index_cast %scan3A_1216 : i32 to index
        %get3A_1249 = arith.constant 48 : index
        %get3A_1250 = tpu.vector_load %arg6[%get3A_1247, %get3A_1248, %get3A_1249] {strides = array<i32>} : memref<4x100x128xf32, #tpu.memory_space<vmem>>, vector<1x1x16xf32>,
        %get3A_1251 = vector.shape_cast %get3A_1250 : vector<1x1x16xf32> to vector<16xf32>
        %add3A_1252 = arith.addf %scan3A_1220, %get3A_1251 : vector<16xf32>
        %get3A_1253 = arith.constant 2 : i32
        %get3A_1254 = arith.index_cast %get3A_1253 : i32 to index
        %get3A_1255 = arith.index_cast %scan3A_1216 : i32 to index
        %get3A_1256 = arith.constant 64 : index
        %get3A_1257 = tpu.vector_load %arg6[%get3A_1254, %get3A_1255, %get3A_1256] {strides = array<i32>} : memref<4x100x128xf32, #tpu.memory_space<vmem>>, vector<1x1x16xf32>,
        %get3A_1258 = vector.shape_cast %get3A_1257 : vector<1x1x16xf32> to vector<16xf32>
        %add3A_1259 = arith.addf %scan3A_1221, %get3A_1258 : vector<16xf32>
        %get3A_1260 = arith.constant 2 : i32
        %get3A_1261 = arith.index_cast %get3A_1260 : i32 to index
        %get3A_1262 = arith.index_cast %scan3A_1216 : i32 to index
        %get3A_1263 = arith.constant 80 : index
        %get3A_1264 = tpu.vector_load %arg6[%get3A_1261, %get3A_1262, %get3A_1263] {strides = array<i32>} : memref<4x100x128xf32, #tpu.memory_space<vmem>>, vector<1x1x16xf32>,
        %get3A_1265 = vector.shape_cast %get3A_1264 : vector<1x1x16xf32> to vector<16xf32>
        %add3A_1266 = arith.addf %scan3A_1222, %get3A_1265 : vector<16xf32>
        %get3A_1267 = arith.constant 2 : i32
        %get3A_1268 = arith.index_cast %get3A_1267 : i32 to index
        %get3A_1269 = arith.index_cast %scan3A_1216 : i32 to index
        %get3A_1270 = arith.constant 96 : index
        %get3A_1271 = tpu.vector_load %arg6[%get3A_1268, %get3A_1269, %get3A_1270] {strides = array<i32>} : memref<4x100x128xf32, #tpu.memory_space<vmem>>, vector<1x1x16xf32>,
        %get3A_1272 = vector.shape_cast %get3A_1271 : vector<1x1x16xf32> to vector<16xf32>
        %add3A_1273 = arith.addf %scan3A_1223, %get3A_1272 : vector<16xf32>
        %get3A_1274 = arith.constant 2 : i32
        %get3A_1275 = arith.index_cast %get3A_1274 : i32 to index
        %get3A_1276 = arith.index_cast %scan3A_1216 : i32 to index
        %get3A_1277 = arith.constant 112 : index
        %get3A_1278 = tpu.vector_load %arg6[%get3A_1275, %get3A_1276, %get3A_1277] {strides = array<i32>} : memref<4x100x128xf32, #tpu.memory_space<vmem>>, vector<1x1x16xf32>,
        %get3A_1279 = vector.shape_cast %get3A_1278 : vector<1x1x16xf32> to vector<16xf32>
        %add3A_1280 = arith.addf %scan3A_1224, %get3A_1279 : vector<16xf32>
        scf.yield %add3A_1231, %add3A_1238, %add3A_1245, %add3A_1252, %add3A_1259, %add3A_1266, %add3A_1273, %add3A_1280 : vector<16xf32>, vector<16xf32>, vector<16xf32>, vector<16xf32>, vector<16xf32>, vector<16xf32>, vector<16xf32>, vector<16xf32>
      }
      %scan3A_845 = arith.constant 49 : i32
      %mul3A_846 = arith.constant 2 : i32
      %mul3A_847 = arith.muli %mul3A_846, %add3A_637 : i32
      %add3A_848 = arith.constant 1 : i32
      %add3A_849 = arith.addi %mul3A_847, %add3A_848 : i32
      %swap3A_850 = arith.index_cast %add3A_849 : i32 to index
      %swap3A_851 = arith.constant 0 : index
      %swap3A_852 = tpu.vector_load %arg7[%swap3A_850, %swap3A_851] {strides = array<i32>} : memref<128x128xf32, #tpu.memory_space<vmem>>, vector<1x16xf32>,
      %swap3A_853 = vector.shape_cast %swap3A_852 : vector<1x16xf32> to vector<16xf32>
      %swap3A_854 = vector.shape_cast %scan3A_844#0 : vector<16xf32> to vector<1x16xf32>
      tpu.vector_store %arg7[%swap3A_850, %swap3A_851], %swap3A_854 {strides = array<i32>} : memref<128x128xf32, #tpu.memory_space<vmem>>, vector<1x16xf32>,
      %mul3A_855 = arith.constant 2 : i32
      %mul3A_856 = arith.muli %mul3A_855, %add3A_637 : i32
      %add3A_857 = arith.constant 1 : i32
      %add3A_858 = arith.addi %mul3A_856, %add3A_857 : i32
      %swap3A_859 = arith.index_cast %add3A_858 : i32 to index
      %swap3A_860 = arith.constant 16 : index
      %swap3A_861 = tpu.vector_load %arg7[%swap3A_859, %swap3A_860] {strides = array<i32>} : memref<128x128xf32, #tpu.memory_space<vmem>>, vector<1x16xf32>,
      %swap3A_862 = vector.shape_cast %swap3A_861 : vector<1x16xf32> to vector<16xf32>
      %swap3A_863 = vector.shape_cast %scan3A_844#1 : vector<16xf32> to vector<1x16xf32>
      tpu.vector_store %arg7[%swap3A_859, %swap3A_860], %swap3A_863 {strides = array<i32>} : memref<128x128xf32, #tpu.memory_space<vmem>>, vector<1x16xf32>,
      %mul3A_864 = arith.constant 2 : i32
      %mul3A_865 = arith.muli %mul3A_864, %add3A_637 : i32
      %add3A_866 = arith.constant 1 : i32
      %add3A_867 = arith.addi %mul3A_865, %add3A_866 : i32
      %swap3A_868 = arith.index_cast %add3A_867 : i32 to index
      %swap3A_869 = arith.constant 32 : index
      %swap3A_870 = tpu.vector_load %arg7[%swap3A_868, %swap3A_869] {strides = array<i32>} : memref<128x128xf32, #tpu.memory_space<vmem>>, vector<1x16xf32>,
      %swap3A_871 = vector.shape_cast %swap3A_870 : vector<1x16xf32> to vector<16xf32>
      %swap3A_872 = vector.shape_cast %scan3A_844#2 : vector<16xf32> to vector<1x16xf32>
      tpu.vector_store %arg7[%swap3A_868, %swap3A_869], %swap3A_872 {strides = array<i32>} : memref<128x128xf32, #tpu.memory_space<vmem>>, vector<1x16xf32>,
      %mul3A_873 = arith.constant 2 : i32
      %mul3A_874 = arith.muli %mul3A_873, %add3A_637 : i32
      %add3A_875 = arith.constant 1 : i32
      %add3A_876 = arith.addi %mul3A_874, %add3A_875 : i32
      %swap3A_877 = arith.index_cast %add3A_876 : i32 to index
      %swap3A_878 = arith.constant 48 : index
      %swap3A_879 = tpu.vector_load %arg7[%swap3A_877, %swap3A_878] {strides = array<i32>} : memref<128x128xf32, #tpu.memory_space<vmem>>, vector<1x16xf32>,
      %swap3A_880 = vector.shape_cast %swap3A_879 : vector<1x16xf32> to vector<16xf32>
      %swap3A_881 = vector.shape_cast %scan3A_844#3 : vector<16xf32> to vector<1x16xf32>
      tpu.vector_store %arg7[%swap3A_877, %swap3A_878], %swap3A_881 {strides = array<i32>} : memref<128x128xf32, #tpu.memory_space<vmem>>, vector<1x16xf32>,
      %mul3A_882 = arith.constant 2 : i32
      %mul3A_883 = arith.muli %mul3A_882, %add3A_637 : i32
      %add3A_884 = arith.constant 1 : i32
      %add3A_885 = arith.addi %mul3A_883, %add3A_884 : i32
      %swap3A_886 = arith.index_cast %add3A_885 : i32 to index
      %swap3A_887 = arith.constant 64 : index
      %swap3A_888 = tpu.vector_load %arg7[%swap3A_886, %swap3A_887] {strides = array<i32>} : memref<128x128xf32, #tpu.memory_space<vmem>>, vector<1x16xf32>,
      %swap3A_889 = vector.shape_cast %swap3A_888 : vector<1x16xf32> to vector<16xf32>
      %swap3A_890 = vector.shape_cast %scan3A_844#4 : vector<16xf32> to vector<1x16xf32>
      tpu.vector_store %arg7[%swap3A_886, %swap3A_887], %swap3A_890 {strides = array<i32>} : memref<128x128xf32, #tpu.memory_space<vmem>>, vector<1x16xf32>,
      %mul3A_891 = arith.constant 2 : i32
      %mul3A_892 = arith.muli %mul3A_891, %add3A_637 : i32
      %add3A_893 = arith.constant 1 : i32
      %add3A_894 = arith.addi %mul3A_892, %add3A_893 : i32
      %swap3A_895 = arith.index_cast %add3A_894 : i32 to index
      %swap3A_896 = arith.constant 80 : index
      %swap3A_897 = tpu.vector_load %arg7[%swap3A_895, %swap3A_896] {strides = array<i32>} : memref<128x128xf32, #tpu.memory_space<vmem>>, vector<1x16xf32>,
      %swap3A_898 = vector.shape_cast %swap3A_897 : vector<1x16xf32> to vector<16xf32>
      %swap3A_899 = vector.shape_cast %scan3A_844#5 : vector<16xf32> to vector<1x16xf32>
      tpu.vector_store %arg7[%swap3A_895, %swap3A_896], %swap3A_899 {strides = array<i32>} : memref<128x128xf32, #tpu.memory_space<vmem>>, vector<1x16xf32>,
      %mul3A_900 = arith.constant 2 : i32
      %mul3A_901 = arith.muli %mul3A_900, %add3A_637 : i32
      %add3A_902 = arith.constant 1 : i32
      %add3A_903 = arith.addi %mul3A_901, %add3A_902 : i32
      %swap3A_904 = arith.index_cast %add3A_903 : i32 to index
      %swap3A_905 = arith.constant 96 : index
      %swap3A_906 = tpu.vector_load %arg7[%swap3A_904, %swap3A_905] {strides = array<i32>} : memref<128x128xf32, #tpu.memory_space<vmem>>, vector<1x16xf32>,
      %swap3A_907 = vector.shape_cast %swap3A_906 : vector<1x16xf32> to vector<16xf32>
      %swap3A_908 = vector.shape_cast %scan3A_844#6 : vector<16xf32> to vector<1x16xf32>
      tpu.vector_store %arg7[%swap3A_904, %swap3A_905], %swap3A_908 {strides = array<i32>} : memref<128x128xf32, #tpu.memory_space<vmem>>, vector<1x16xf32>,
      %mul3A_909 = arith.constant 2 : i32
      %mul3A_910 = arith.muli %mul3A_909, %add3A_637 : i32
      %add3A_911 = arith.constant 1 : i32
      %add3A_912 = arith.addi %mul3A_910, %add3A_911 : i32
      %swap3A_913 = arith.index_cast %add3A_912 : i32 to index
      %swap3A_914 = arith.constant 112 : index
      %swap3A_915 = tpu.vector_load %arg7[%swap3A_913, %swap3A_914] {strides = array<i32>} : memref<128x128xf32, #tpu.memory_space<vmem>>, vector<1x16xf32>,
      %swap3A_916 = vector.shape_cast %swap3A_915 : vector<1x16xf32> to vector<16xf32>
      %swap3A_917 = vector.shape_cast %scan3A_844#7 : vector<16xf32> to vector<1x16xf32>
      tpu.vector_store %arg7[%swap3A_913, %swap3A_914], %swap3A_917 {strides = array<i32>} : memref<128x128xf32, #tpu.memory_space<vmem>>, vector<1x16xf32>,
      %add3A_918 = arith.constant 4 : i32
      %add3A_919 = arith.addi %add3A_637, %add3A_918 : i32
      %lt3A_920 = arith.constant 64 : i32
      %lt3A_921 = arith.cmpi slt, %add3A_919, %lt3A_920 : i32
      %convert_element_type3A_922 = arith.extui %lt3A_921 : i1 to i32
      %cond3A_923 = arith.constant 0 : i32
      %cond3A_924 = arith.cmpi ne, %convert_element_type3A_922, %cond3A_923 : i32
      scf.if %cond3A_924 {
        %dma_start3A_1216 = arith.constant 2 : i32
        %dma_start3A_1217 = arith.constant 0 : i32
        %dma_start3A_1218 = arith.constant 0 : i32
        %dma_start3A_1219 = tpu.memref_slice %arg6[%dma_start3A_1216, %dma_start3A_1217, %dma_start3A_1218] : memref<4x100x128xf32, #tpu.memory_space<vmem>> -> memref<1x100x128xf32, #tpu.memory_space<vmem>>
        %dma_start3A_1220 = tpu.memref_squeeze %dma_start3A_1219 : memref<1x100x128xf32, #tpu.memory_space<vmem>> -> memref<100x128xf32, #tpu.memory_space<vmem>>
        %dma_start3A_1221 = arith.constant 0 : i32
        %dma_start3A_1222 = tpu.memref_slice %arg5[%add3A_919, %dma_start3A_1221] : memref<64x100xi32, #tpu.memory_space<vmem>> -> memref<1x100xi32, #tpu.memory_space<vmem>>
        %dma_start3A_1223 = tpu.memref_squeeze %dma_start3A_1222 : memref<1x100xi32, #tpu.memory_space<vmem>> -> memref<100xi32, #tpu.memory_space<vmem>>
        %dma_start3A_1224 = arith.constant 0 : i32
        %dma_start3A_1225 = arith.constant 0 : i32
        %dma_start3A_1226 = tpu.memref_slice %arg3[%dma_start3A_1224, %dma_start3A_1225] : memref<100000x128xf32, #tpu.memory_space<hbm>> -> memref<100000x128xf32, #tpu.memory_space<hbm>>
        tpu.enqueue_indirect_dma source(%dma_start3A_1226 : memref<100000x128xf32, #tpu.memory_space<hbm>>) target(%dma_start3A_1220 : memref<100x128xf32, #tpu.memory_space<vmem>>) offsets(%dma_start3A_1223 : memref<100xi32, #tpu.memory_space<vmem>>) semaphore(%arg10 : memref<!tpu.dma_semaphore, #tpu.memory_space<semaphore_mem>>)
      } else {
      }
      %mul3A_925 = arith.constant 4 : i32
      %mul3A_926 = arith.muli %mul3A_925, %scan3A_57 : i32
      %add3A_927 = arith.constant 3 : i32
      %add3A_928 = arith.addi %mul3A_926, %add3A_927 : i32
      %dma_wait3A_929 = arith.constant 0 : i32
      %dma_wait3A_930 = arith.constant 3 : i32
      %dma_wait3A_931 = arith.constant 0 : i32
      %dma_wait3A_932 = arith.constant 0 : i32
      %dma_wait3A_933 = tpu.memref_slice %arg6[%dma_wait3A_930, %dma_wait3A_931, %dma_wait3A_932] : memref<4x100x128xf32, #tpu.memory_space<vmem>> -> memref<1x100x128xf32, #tpu.memory_space<vmem>>
      %dma_wait3A_934 = tpu.memref_squeeze %dma_wait3A_933 : memref<1x100x128xf32, #tpu.memory_space<vmem>> -> memref<100x128xf32, #tpu.memory_space<vmem>>
      %dma_wait3A_935 = arith.constant 0 : i32
      %dma_wait3A_936 = tpu.memref_slice %arg5[%dma_wait3A_929, %dma_wait3A_935] : memref<64x100xi32, #tpu.memory_space<vmem>> -> memref<1x100xi32, #tpu.memory_space<vmem>>
      %dma_wait3A_937 = tpu.memref_squeeze %dma_wait3A_936 : memref<1x100xi32, #tpu.memory_space<vmem>> -> memref<100xi32, #tpu.memory_space<vmem>>
      %dma_wait3A_938 = arith.constant 0 : i32
      %dma_wait3A_939 = arith.constant 0 : i32
      %dma_wait3A_940 = tpu.memref_slice %arg3[%dma_wait3A_938, %dma_wait3A_939] : memref<100000x128xf32, #tpu.memory_space<hbm>> -> memref<100000x128xf32, #tpu.memory_space<hbm>>
      tpu.wait_indirect_dma semaphore(%arg11 : memref<!tpu.dma_semaphore, #tpu.memory_space<semaphore_mem>>) src(%dma_wait3A_940 : memref<100000x128xf32, #tpu.memory_space<hbm>>) dst(%dma_wait3A_934 : memref<100x128xf32, #tpu.memory_space<vmem>>)
      %get3A_941 = arith.constant 3 : i32
      %get3A_942 = arith.constant 0 : i32
      %get3A_943 = arith.index_cast %get3A_941 : i32 to index
      %get3A_944 = arith.index_cast %get3A_942 : i32 to index
      %get3A_945 = arith.constant 0 : index
      %get3A_946 = tpu.vector_load %arg6[%get3A_943, %get3A_944, %get3A_945] {strides = array<i32>} : memref<4x100x128xf32, #tpu.memory_space<vmem>>, vector<1x1x16xf32>,
      %get3A_947 = vector.shape_cast %get3A_946 : vector<1x1x16xf32> to vector<16xf32>
      %get3A_948 = arith.constant 3 : i32
      %get3A_949 = arith.constant 0 : i32
      %get3A_950 = arith.index_cast %get3A_948 : i32 to index
      %get3A_951 = arith.index_cast %get3A_949 : i32 to index
      %get3A_952 = arith.constant 16 : index
      %get3A_953 = tpu.vector_load %arg6[%get3A_950, %get3A_951, %get3A_952] {strides = array<i32>} : memref<4x100x128xf32, #tpu.memory_space<vmem>>, vector<1x1x16xf32>,
      %get3A_954 = vector.shape_cast %get3A_953 : vector<1x1x16xf32> to vector<16xf32>
      %get3A_955 = arith.constant 3 : i32
      %get3A_956 = arith.constant 0 : i32
      %get3A_957 = arith.index_cast %get3A_955 : i32 to index
      %get3A_958 = arith.index_cast %get3A_956 : i32 to index
      %get3A_959 = arith.constant 32 : index
      %get3A_960 = tpu.vector_load %arg6[%get3A_957, %get3A_958, %get3A_959] {strides = array<i32>} : memref<4x100x128xf32, #tpu.memory_space<vmem>>, vector<1x1x16xf32>,
      %get3A_961 = vector.shape_cast %get3A_960 : vector<1x1x16xf32> to vector<16xf32>
      %get3A_962 = arith.constant 3 : i32
      %get3A_963 = arith.constant 0 : i32
      %get3A_964 = arith.index_cast %get3A_962 : i32 to index
      %get3A_965 = arith.index_cast %get3A_963 : i32 to index
      %get3A_966 = arith.constant 48 : index
      %get3A_967 = tpu.vector_load %arg6[%get3A_964, %get3A_965, %get3A_966] {strides = array<i32>} : memref<4x100x128xf32, #tpu.memory_space<vmem>>, vector<1x1x16xf32>,
      %get3A_968 = vector.shape_cast %get3A_967 : vector<1x1x16xf32> to vector<16xf32>
      %get3A_969 = arith.constant 3 : i32
      %get3A_970 = arith.constant 0 : i32
      %get3A_971 = arith.index_cast %get3A_969 : i32 to index
      %get3A_972 = arith.index_cast %get3A_970 : i32 to index
      %get3A_973 = arith.constant 64 : index
      %get3A_974 = tpu.vector_load %arg6[%get3A_971, %get3A_972, %get3A_973] {strides = array<i32>} : memref<4x100x128xf32, #tpu.memory_space<vmem>>, vector<1x1x16xf32>,
      %get3A_975 = vector.shape_cast %get3A_974 : vector<1x1x16xf32> to vector<16xf32>
      %get3A_976 = arith.constant 3 : i32
      %get3A_977 = arith.constant 0 : i32
      %get3A_978 = arith.index_cast %get3A_976 : i32 to index
      %get3A_979 = arith.index_cast %get3A_977 : i32 to index
      %get3A_980 = arith.constant 80 : index
      %get3A_981 = tpu.vector_load %arg6[%get3A_978, %get3A_979, %get3A_980] {strides = array<i32>} : memref<4x100x128xf32, #tpu.memory_space<vmem>>, vector<1x1x16xf32>,
      %get3A_982 = vector.shape_cast %get3A_981 : vector<1x1x16xf32> to vector<16xf32>
      %get3A_983 = arith.constant 3 : i32
      %get3A_984 = arith.constant 0 : i32
      %get3A_985 = arith.index_cast %get3A_983 : i32 to index
      %get3A_986 = arith.index_cast %get3A_984 : i32 to index
      %get3A_987 = arith.constant 96 : index
      %get3A_988 = tpu.vector_load %arg6[%get3A_985, %get3A_986, %get3A_987] {strides = array<i32>} : memref<4x100x128xf32, #tpu.memory_space<vmem>>, vector<1x1x16xf32>,
      %get3A_989 = vector.shape_cast %get3A_988 : vector<1x1x16xf32> to vector<16xf32>
      %get3A_990 = arith.constant 3 : i32
      %get3A_991 = arith.constant 0 : i32
      %get3A_992 = arith.index_cast %get3A_990 : i32 to index
      %get3A_993 = arith.index_cast %get3A_991 : i32 to index
      %get3A_994 = arith.constant 112 : index
      %get3A_995 = tpu.vector_load %arg6[%get3A_992, %get3A_993, %get3A_994] {strides = array<i32>} : memref<4x100x128xf32, #tpu.memory_space<vmem>>, vector<1x1x16xf32>,
      %get3A_996 = vector.shape_cast %get3A_995 : vector<1x1x16xf32> to vector<16xf32>
      %scan3A_997 = arith.constant 1 : i32
      %scan3A_998 = arith.constant 49 : i32
      %scan3A_999 = arith.addi %scan3A_997, %scan3A_998 : i32
      %scan3A_1000 = arith.constant 1 : i32
      %scan3A_1001:8 = scf.for %scan3A_1216 = %scan3A_997 to %scan3A_999 step %scan3A_1000 iter_args(%scan3A_1217 = %get3A_947, %scan3A_1218 = %get3A_954, %scan3A_1219 = %get3A_961, %scan3A_1220 = %get3A_968, %scan3A_1221 = %get3A_975, %scan3A_1222 = %get3A_982, %scan3A_1223 = %get3A_989, %scan3A_1224 = %get3A_996) -> (vector<16xf32>, vector<16xf32>, vector<16xf32>, vector<16xf32>, vector<16xf32>, vector<16xf32>, vector<16xf32>, vector<16xf32>)  : i32 {
        %get3A_1225 = arith.constant 3 : i32
        %get3A_1226 = arith.index_cast %get3A_1225 : i32 to index
        %get3A_1227 = arith.index_cast %scan3A_1216 : i32 to index
        %get3A_1228 = arith.constant 0 : index
        %get3A_1229 = tpu.vector_load %arg6[%get3A_1226, %get3A_1227, %get3A_1228] {strides = array<i32>} : memref<4x100x128xf32, #tpu.memory_space<vmem>>, vector<1x1x16xf32>,
        %get3A_1230 = vector.shape_cast %get3A_1229 : vector<1x1x16xf32> to vector<16xf32>
        %add3A_1231 = arith.addf %scan3A_1217, %get3A_1230 : vector<16xf32>
        %get3A_1232 = arith.constant 3 : i32
        %get3A_1233 = arith.index_cast %get3A_1232 : i32 to index
        %get3A_1234 = arith.index_cast %scan3A_1216 : i32 to index
        %get3A_1235 = arith.constant 16 : index
        %get3A_1236 = tpu.vector_load %arg6[%get3A_1233, %get3A_1234, %get3A_1235] {strides = array<i32>} : memref<4x100x128xf32, #tpu.memory_space<vmem>>, vector<1x1x16xf32>,
        %get3A_1237 = vector.shape_cast %get3A_1236 : vector<1x1x16xf32> to vector<16xf32>
        %add3A_1238 = arith.addf %scan3A_1218, %get3A_1237 : vector<16xf32>
        %get3A_1239 = arith.constant 3 : i32
        %get3A_1240 = arith.index_cast %get3A_1239 : i32 to index
        %get3A_1241 = arith.index_cast %scan3A_1216 : i32 to index
        %get3A_1242 = arith.constant 32 : index
        %get3A_1243 = tpu.vector_load %arg6[%get3A_1240, %get3A_1241, %get3A_1242] {strides = array<i32>} : memref<4x100x128xf32, #tpu.memory_space<vmem>>, vector<1x1x16xf32>,
        %get3A_1244 = vector.shape_cast %get3A_1243 : vector<1x1x16xf32> to vector<16xf32>
        %add3A_1245 = arith.addf %scan3A_1219, %get3A_1244 : vector<16xf32>
        %get3A_1246 = arith.constant 3 : i32
        %get3A_1247 = arith.index_cast %get3A_1246 : i32 to index
        %get3A_1248 = arith.index_cast %scan3A_1216 : i32 to index
        %get3A_1249 = arith.constant 48 : index
        %get3A_1250 = tpu.vector_load %arg6[%get3A_1247, %get3A_1248, %get3A_1249] {strides = array<i32>} : memref<4x100x128xf32, #tpu.memory_space<vmem>>, vector<1x1x16xf32>,
        %get3A_1251 = vector.shape_cast %get3A_1250 : vector<1x1x16xf32> to vector<16xf32>
        %add3A_1252 = arith.addf %scan3A_1220, %get3A_1251 : vector<16xf32>
        %get3A_1253 = arith.constant 3 : i32
        %get3A_1254 = arith.index_cast %get3A_1253 : i32 to index
        %get3A_1255 = arith.index_cast %scan3A_1216 : i32 to index
        %get3A_1256 = arith.constant 64 : index
        %get3A_1257 = tpu.vector_load %arg6[%get3A_1254, %get3A_1255, %get3A_1256] {strides = array<i32>} : memref<4x100x128xf32, #tpu.memory_space<vmem>>, vector<1x1x16xf32>,
        %get3A_1258 = vector.shape_cast %get3A_1257 : vector<1x1x16xf32> to vector<16xf32>
        %add3A_1259 = arith.addf %scan3A_1221, %get3A_1258 : vector<16xf32>
        %get3A_1260 = arith.constant 3 : i32
        %get3A_1261 = arith.index_cast %get3A_1260 : i32 to index
        %get3A_1262 = arith.index_cast %scan3A_1216 : i32 to index
        %get3A_1263 = arith.constant 80 : index
        %get3A_1264 = tpu.vector_load %arg6[%get3A_1261, %get3A_1262, %get3A_1263] {strides = array<i32>} : memref<4x100x128xf32, #tpu.memory_space<vmem>>, vector<1x1x16xf32>,
        %get3A_1265 = vector.shape_cast %get3A_1264 : vector<1x1x16xf32> to vector<16xf32>
        %add3A_1266 = arith.addf %scan3A_1222, %get3A_1265 : vector<16xf32>
        %get3A_1267 = arith.constant 3 : i32
        %get3A_1268 = arith.index_cast %get3A_1267 : i32 to index
        %get3A_1269 = arith.index_cast %scan3A_1216 : i32 to index
        %get3A_1270 = arith.constant 96 : index
        %get3A_1271 = tpu.vector_load %arg6[%get3A_1268, %get3A_1269, %get3A_1270] {strides = array<i32>} : memref<4x100x128xf32, #tpu.memory_space<vmem>>, vector<1x1x16xf32>,
        %get3A_1272 = vector.shape_cast %get3A_1271 : vector<1x1x16xf32> to vector<16xf32>
        %add3A_1273 = arith.addf %scan3A_1223, %get3A_1272 : vector<16xf32>
        %get3A_1274 = arith.constant 3 : i32
        %get3A_1275 = arith.index_cast %get3A_1274 : i32 to index
        %get3A_1276 = arith.index_cast %scan3A_1216 : i32 to index
        %get3A_1277 = arith.constant 112 : index
        %get3A_1278 = tpu.vector_load %arg6[%get3A_1275, %get3A_1276, %get3A_1277] {strides = array<i32>} : memref<4x100x128xf32, #tpu.memory_space<vmem>>, vector<1x1x16xf32>,
        %get3A_1279 = vector.shape_cast %get3A_1278 : vector<1x1x16xf32> to vector<16xf32>
        %add3A_1280 = arith.addf %scan3A_1224, %get3A_1279 : vector<16xf32>
        scf.yield %add3A_1231, %add3A_1238, %add3A_1245, %add3A_1252, %add3A_1259, %add3A_1266, %add3A_1273, %add3A_1280 : vector<16xf32>, vector<16xf32>, vector<16xf32>, vector<16xf32>, vector<16xf32>, vector<16xf32>, vector<16xf32>, vector<16xf32>
      }
      %scan3A_1002 = arith.constant 49 : i32
      %mul3A_1003 = arith.constant 2 : i32
      %mul3A_1004 = arith.muli %mul3A_1003, %add3A_928 : i32
      %add3A_1005 = arith.constant 0 : i32
      %add3A_1006 = arith.addi %mul3A_1004, %add3A_1005 : i32
      %swap3A_1007 = arith.index_cast %add3A_1006 : i32 to index
      %swap3A_1008 = arith.constant 0 : index
      %swap3A_1009 = tpu.vector_load %arg7[%swap3A_1007, %swap3A_1008] {strides = array<i32>} : memref<128x128xf32, #tpu.memory_space<vmem>>, vector<1x16xf32>,
      %swap3A_1010 = vector.shape_cast %swap3A_1009 : vector<1x16xf32> to vector<16xf32>
      %swap3A_1011 = vector.shape_cast %scan3A_1001#0 : vector<16xf32> to vector<1x16xf32>
      tpu.vector_store %arg7[%swap3A_1007, %swap3A_1008], %swap3A_1011 {strides = array<i32>} : memref<128x128xf32, #tpu.memory_space<vmem>>, vector<1x16xf32>,
      %mul3A_1012 = arith.constant 2 : i32
      %mul3A_1013 = arith.muli %mul3A_1012, %add3A_928 : i32
      %add3A_1014 = arith.constant 0 : i32
      %add3A_1015 = arith.addi %mul3A_1013, %add3A_1014 : i32
      %swap3A_1016 = arith.index_cast %add3A_1015 : i32 to index
      %swap3A_1017 = arith.constant 16 : index
      %swap3A_1018 = tpu.vector_load %arg7[%swap3A_1016, %swap3A_1017] {strides = array<i32>} : memref<128x128xf32, #tpu.memory_space<vmem>>, vector<1x16xf32>,
      %swap3A_1019 = vector.shape_cast %swap3A_1018 : vector<1x16xf32> to vector<16xf32>
      %swap3A_1020 = vector.shape_cast %scan3A_1001#1 : vector<16xf32> to vector<1x16xf32>
      tpu.vector_store %arg7[%swap3A_1016, %swap3A_1017], %swap3A_1020 {strides = array<i32>} : memref<128x128xf32, #tpu.memory_space<vmem>>, vector<1x16xf32>,
      %mul3A_1021 = arith.constant 2 : i32
      %mul3A_1022 = arith.muli %mul3A_1021, %add3A_928 : i32
      %add3A_1023 = arith.constant 0 : i32
      %add3A_1024 = arith.addi %mul3A_1022, %add3A_1023 : i32
      %swap3A_1025 = arith.index_cast %add3A_1024 : i32 to index
      %swap3A_1026 = arith.constant 32 : index
      %swap3A_1027 = tpu.vector_load %arg7[%swap3A_1025, %swap3A_1026] {strides = array<i32>} : memref<128x128xf32, #tpu.memory_space<vmem>>, vector<1x16xf32>,
      %swap3A_1028 = vector.shape_cast %swap3A_1027 : vector<1x16xf32> to vector<16xf32>
      %swap3A_1029 = vector.shape_cast %scan3A_1001#2 : vector<16xf32> to vector<1x16xf32>
      tpu.vector_store %arg7[%swap3A_1025, %swap3A_1026], %swap3A_1029 {strides = array<i32>} : memref<128x128xf32, #tpu.memory_space<vmem>>, vector<1x16xf32>,
      %mul3A_1030 = arith.constant 2 : i32
      %mul3A_1031 = arith.muli %mul3A_1030, %add3A_928 : i32
      %add3A_1032 = arith.constant 0 : i32
      %add3A_1033 = arith.addi %mul3A_1031, %add3A_1032 : i32
      %swap3A_1034 = arith.index_cast %add3A_1033 : i32 to index
      %swap3A_1035 = arith.constant 48 : index
      %swap3A_1036 = tpu.vector_load %arg7[%swap3A_1034, %swap3A_1035] {strides = array<i32>} : memref<128x128xf32, #tpu.memory_space<vmem>>, vector<1x16xf32>,
      %swap3A_1037 = vector.shape_cast %swap3A_1036 : vector<1x16xf32> to vector<16xf32>
      %swap3A_1038 = vector.shape_cast %scan3A_1001#3 : vector<16xf32> to vector<1x16xf32>
      tpu.vector_store %arg7[%swap3A_1034, %swap3A_1035], %swap3A_1038 {strides = array<i32>} : memref<128x128xf32, #tpu.memory_space<vmem>>, vector<1x16xf32>,
      %mul3A_1039 = arith.constant 2 : i32
      %mul3A_1040 = arith.muli %mul3A_1039, %add3A_928 : i32
      %add3A_1041 = arith.constant 0 : i32
      %add3A_1042 = arith.addi %mul3A_1040, %add3A_1041 : i32
      %swap3A_1043 = arith.index_cast %add3A_1042 : i32 to index
      %swap3A_1044 = arith.constant 64 : index
      %swap3A_1045 = tpu.vector_load %arg7[%swap3A_1043, %swap3A_1044] {strides = array<i32>} : memref<128x128xf32, #tpu.memory_space<vmem>>, vector<1x16xf32>,
      %swap3A_1046 = vector.shape_cast %swap3A_1045 : vector<1x16xf32> to vector<16xf32>
      %swap3A_1047 = vector.shape_cast %scan3A_1001#4 : vector<16xf32> to vector<1x16xf32>
      tpu.vector_store %arg7[%swap3A_1043, %swap3A_1044], %swap3A_1047 {strides = array<i32>} : memref<128x128xf32, #tpu.memory_space<vmem>>, vector<1x16xf32>,
      %mul3A_1048 = arith.constant 2 : i32
      %mul3A_1049 = arith.muli %mul3A_1048, %add3A_928 : i32
      %add3A_1050 = arith.constant 0 : i32
      %add3A_1051 = arith.addi %mul3A_1049, %add3A_1050 : i32
      %swap3A_1052 = arith.index_cast %add3A_1051 : i32 to index
      %swap3A_1053 = arith.constant 80 : index
      %swap3A_1054 = tpu.vector_load %arg7[%swap3A_1052, %swap3A_1053] {strides = array<i32>} : memref<128x128xf32, #tpu.memory_space<vmem>>, vector<1x16xf32>,
      %swap3A_1055 = vector.shape_cast %swap3A_1054 : vector<1x16xf32> to vector<16xf32>
      %swap3A_1056 = vector.shape_cast %scan3A_1001#5 : vector<16xf32> to vector<1x16xf32>
      tpu.vector_store %arg7[%swap3A_1052, %swap3A_1053], %swap3A_1056 {strides = array<i32>} : memref<128x128xf32, #tpu.memory_space<vmem>>, vector<1x16xf32>,
      %mul3A_1057 = arith.constant 2 : i32
      %mul3A_1058 = arith.muli %mul3A_1057, %add3A_928 : i32
      %add3A_1059 = arith.constant 0 : i32
      %add3A_1060 = arith.addi %mul3A_1058, %add3A_1059 : i32
      %swap3A_1061 = arith.index_cast %add3A_1060 : i32 to index
      %swap3A_1062 = arith.constant 96 : index
      %swap3A_1063 = tpu.vector_load %arg7[%swap3A_1061, %swap3A_1062] {strides = array<i32>} : memref<128x128xf32, #tpu.memory_space<vmem>>, vector<1x16xf32>,
      %swap3A_1064 = vector.shape_cast %swap3A_1063 : vector<1x16xf32> to vector<16xf32>
      %swap3A_1065 = vector.shape_cast %scan3A_1001#6 : vector<16xf32> to vector<1x16xf32>
      tpu.vector_store %arg7[%swap3A_1061, %swap3A_1062], %swap3A_1065 {strides = array<i32>} : memref<128x128xf32, #tpu.memory_space<vmem>>, vector<1x16xf32>,
      %mul3A_1066 = arith.constant 2 : i32
      %mul3A_1067 = arith.muli %mul3A_1066, %add3A_928 : i32
      %add3A_1068 = arith.constant 0 : i32
      %add3A_1069 = arith.addi %mul3A_1067, %add3A_1068 : i32
      %swap3A_1070 = arith.index_cast %add3A_1069 : i32 to index
      %swap3A_1071 = arith.constant 112 : index
      %swap3A_1072 = tpu.vector_load %arg7[%swap3A_1070, %swap3A_1071] {strides = array<i32>} : memref<128x128xf32, #tpu.memory_space<vmem>>, vector<1x16xf32>,
      %swap3A_1073 = vector.shape_cast %swap3A_1072 : vector<1x16xf32> to vector<16xf32>
      %swap3A_1074 = vector.shape_cast %scan3A_1001#7 : vector<16xf32> to vector<1x16xf32>
      tpu.vector_store %arg7[%swap3A_1070, %swap3A_1071], %swap3A_1074 {strides = array<i32>} : memref<128x128xf32, #tpu.memory_space<vmem>>, vector<1x16xf32>,
      %get3A_1075 = arith.constant 3 : i32
      %get3A_1076 = arith.constant 50 : i32
      %get3A_1077 = arith.index_cast %get3A_1075 : i32 to index
      %get3A_1078 = arith.index_cast %get3A_1076 : i32 to index
      %get3A_1079 = arith.constant 0 : index
      %get3A_1080 = tpu.vector_load %arg6[%get3A_1077, %get3A_1078, %get3A_1079] {strides = array<i32>} : memref<4x100x128xf32, #tpu.memory_space<vmem>>, vector<1x1x16xf32>,
      %get3A_1081 = vector.shape_cast %get3A_1080 : vector<1x1x16xf32> to vector<16xf32>
      %get3A_1082 = arith.constant 3 : i32
      %get3A_1083 = arith.constant 50 : i32
      %get3A_1084 = arith.index_cast %get3A_1082 : i32 to index
      %get3A_1085 = arith.index_cast %get3A_1083 : i32 to index
      %get3A_1086 = arith.constant 16 : index
      %get3A_1087 = tpu.vector_load %arg6[%get3A_1084, %get3A_1085, %get3A_1086] {strides = array<i32>} : memref<4x100x128xf32, #tpu.memory_space<vmem>>, vector<1x1x16xf32>,
      %get3A_1088 = vector.shape_cast %get3A_1087 : vector<1x1x16xf32> to vector<16xf32>
      %get3A_1089 = arith.constant 3 : i32
      %get3A_1090 = arith.constant 50 : i32
      %get3A_1091 = arith.index_cast %get3A_1089 : i32 to index
      %get3A_1092 = arith.index_cast %get3A_1090 : i32 to index
      %get3A_1093 = arith.constant 32 : index
      %get3A_1094 = tpu.vector_load %arg6[%get3A_1091, %get3A_1092, %get3A_1093] {strides = array<i32>} : memref<4x100x128xf32, #tpu.memory_space<vmem>>, vector<1x1x16xf32>,
      %get3A_1095 = vector.shape_cast %get3A_1094 : vector<1x1x16xf32> to vector<16xf32>
      %get3A_1096 = arith.constant 3 : i32
      %get3A_1097 = arith.constant 50 : i32
      %get3A_1098 = arith.index_cast %get3A_1096 : i32 to index
      %get3A_1099 = arith.index_cast %get3A_1097 : i32 to index
      %get3A_1100 = arith.constant 48 : index
      %get3A_1101 = tpu.vector_load %arg6[%get3A_1098, %get3A_1099, %get3A_1100] {strides = array<i32>} : memref<4x100x128xf32, #tpu.memory_space<vmem>>, vector<1x1x16xf32>,
      %get3A_1102 = vector.shape_cast %get3A_1101 : vector<1x1x16xf32> to vector<16xf32>
      %get3A_1103 = arith.constant 3 : i32
      %get3A_1104 = arith.constant 50 : i32
      %get3A_1105 = arith.index_cast %get3A_1103 : i32 to index
      %get3A_1106 = arith.index_cast %get3A_1104 : i32 to index
      %get3A_1107 = arith.constant 64 : index
      %get3A_1108 = tpu.vector_load %arg6[%get3A_1105, %get3A_1106, %get3A_1107] {strides = array<i32>} : memref<4x100x128xf32, #tpu.memory_space<vmem>>, vector<1x1x16xf32>,
      %get3A_1109 = vector.shape_cast %get3A_1108 : vector<1x1x16xf32> to vector<16xf32>
      %get3A_1110 = arith.constant 3 : i32
      %get3A_1111 = arith.constant 50 : i32
      %get3A_1112 = arith.index_cast %get3A_1110 : i32 to index
      %get3A_1113 = arith.index_cast %get3A_1111 : i32 to index
      %get3A_1114 = arith.constant 80 : index
      %get3A_1115 = tpu.vector_load %arg6[%get3A_1112, %get3A_1113, %get3A_1114] {strides = array<i32>} : memref<4x100x128xf32, #tpu.memory_space<vmem>>, vector<1x1x16xf32>,
      %get3A_1116 = vector.shape_cast %get3A_1115 : vector<1x1x16xf32> to vector<16xf32>
      %get3A_1117 = arith.constant 3 : i32
      %get3A_1118 = arith.constant 50 : i32
      %get3A_1119 = arith.index_cast %get3A_1117 : i32 to index
      %get3A_1120 = arith.index_cast %get3A_1118 : i32 to index
      %get3A_1121 = arith.constant 96 : index
      %get3A_1122 = tpu.vector_load %arg6[%get3A_1119, %get3A_1120, %get3A_1121] {strides = array<i32>} : memref<4x100x128xf32, #tpu.memory_space<vmem>>, vector<1x1x16xf32>,
      %get3A_1123 = vector.shape_cast %get3A_1122 : vector<1x1x16xf32> to vector<16xf32>
      %get3A_1124 = arith.constant 3 : i32
      %get3A_1125 = arith.constant 50 : i32
      %get3A_1126 = arith.index_cast %get3A_1124 : i32 to index
      %get3A_1127 = arith.index_cast %get3A_1125 : i32 to index
      %get3A_1128 = arith.constant 112 : index
      %get3A_1129 = tpu.vector_load %arg6[%get3A_1126, %get3A_1127, %get3A_1128] {strides = array<i32>} : memref<4x100x128xf32, #tpu.memory_space<vmem>>, vector<1x1x16xf32>,
      %get3A_1130 = vector.shape_cast %get3A_1129 : vector<1x1x16xf32> to vector<16xf32>
      %scan3A_1131 = arith.constant 51 : i32
      %scan3A_1132 = arith.constant 49 : i32
      %scan3A_1133 = arith.addi %scan3A_1131, %scan3A_1132 : i32
      %scan3A_1134 = arith.constant 1 : i32
      %scan3A_1135:8 = scf.for %scan3A_1216 = %scan3A_1131 to %scan3A_1133 step %scan3A_1134 iter_args(%scan3A_1217 = %get3A_1081, %scan3A_1218 = %get3A_1088, %scan3A_1219 = %get3A_1095, %scan3A_1220 = %get3A_1102, %scan3A_1221 = %get3A_1109, %scan3A_1222 = %get3A_1116, %scan3A_1223 = %get3A_1123, %scan3A_1224 = %get3A_1130) -> (vector<16xf32>, vector<16xf32>, vector<16xf32>, vector<16xf32>, vector<16xf32>, vector<16xf32>, vector<16xf32>, vector<16xf32>)  : i32 {
        %get3A_1225 = arith.constant 3 : i32
        %get3A_1226 = arith.index_cast %get3A_1225 : i32 to index
        %get3A_1227 = arith.index_cast %scan3A_1216 : i32 to index
        %get3A_1228 = arith.constant 0 : index
        %get3A_1229 = tpu.vector_load %arg6[%get3A_1226, %get3A_1227, %get3A_1228] {strides = array<i32>} : memref<4x100x128xf32, #tpu.memory_space<vmem>>, vector<1x1x16xf32>,
        %get3A_1230 = vector.shape_cast %get3A_1229 : vector<1x1x16xf32> to vector<16xf32>
        %add3A_1231 = arith.addf %scan3A_1217, %get3A_1230 : vector<16xf32>
        %get3A_1232 = arith.constant 3 : i32
        %get3A_1233 = arith.index_cast %get3A_1232 : i32 to index
        %get3A_1234 = arith.index_cast %scan3A_1216 : i32 to index
        %get3A_1235 = arith.constant 16 : index
        %get3A_1236 = tpu.vector_load %arg6[%get3A_1233, %get3A_1234, %get3A_1235] {strides = array<i32>} : memref<4x100x128xf32, #tpu.memory_space<vmem>>, vector<1x1x16xf32>,
        %get3A_1237 = vector.shape_cast %get3A_1236 : vector<1x1x16xf32> to vector<16xf32>
        %add3A_1238 = arith.addf %scan3A_1218, %get3A_1237 : vector<16xf32>
        %get3A_1239 = arith.constant 3 : i32
        %get3A_1240 = arith.index_cast %get3A_1239 : i32 to index
        %get3A_1241 = arith.index_cast %scan3A_1216 : i32 to index
        %get3A_1242 = arith.constant 32 : index
        %get3A_1243 = tpu.vector_load %arg6[%get3A_1240, %get3A_1241, %get3A_1242] {strides = array<i32>} : memref<4x100x128xf32, #tpu.memory_space<vmem>>, vector<1x1x16xf32>,
        %get3A_1244 = vector.shape_cast %get3A_1243 : vector<1x1x16xf32> to vector<16xf32>
        %add3A_1245 = arith.addf %scan3A_1219, %get3A_1244 : vector<16xf32>
        %get3A_1246 = arith.constant 3 : i32
        %get3A_1247 = arith.index_cast %get3A_1246 : i32 to index
        %get3A_1248 = arith.index_cast %scan3A_1216 : i32 to index
        %get3A_1249 = arith.constant 48 : index
        %get3A_1250 = tpu.vector_load %arg6[%get3A_1247, %get3A_1248, %get3A_1249] {strides = array<i32>} : memref<4x100x128xf32, #tpu.memory_space<vmem>>, vector<1x1x16xf32>,
        %get3A_1251 = vector.shape_cast %get3A_1250 : vector<1x1x16xf32> to vector<16xf32>
        %add3A_1252 = arith.addf %scan3A_1220, %get3A_1251 : vector<16xf32>
        %get3A_1253 = arith.constant 3 : i32
        %get3A_1254 = arith.index_cast %get3A_1253 : i32 to index
        %get3A_1255 = arith.index_cast %scan3A_1216 : i32 to index
        %get3A_1256 = arith.constant 64 : index
        %get3A_1257 = tpu.vector_load %arg6[%get3A_1254, %get3A_1255, %get3A_1256] {strides = array<i32>} : memref<4x100x128xf32, #tpu.memory_space<vmem>>, vector<1x1x16xf32>,
        %get3A_1258 = vector.shape_cast %get3A_1257 : vector<1x1x16xf32> to vector<16xf32>
        %add3A_1259 = arith.addf %scan3A_1221, %get3A_1258 : vector<16xf32>
        %get3A_1260 = arith.constant 3 : i32
        %get3A_1261 = arith.index_cast %get3A_1260 : i32 to index
        %get3A_1262 = arith.index_cast %scan3A_1216 : i32 to index
        %get3A_1263 = arith.constant 80 : index
        %get3A_1264 = tpu.vector_load %arg6[%get3A_1261, %get3A_1262, %get3A_1263] {strides = array<i32>} : memref<4x100x128xf32, #tpu.memory_space<vmem>>, vector<1x1x16xf32>,
        %get3A_1265 = vector.shape_cast %get3A_1264 : vector<1x1x16xf32> to vector<16xf32>
        %add3A_1266 = arith.addf %scan3A_1222, %get3A_1265 : vector<16xf32>
        %get3A_1267 = arith.constant 3 : i32
        %get3A_1268 = arith.index_cast %get3A_1267 : i32 to index
        %get3A_1269 = arith.index_cast %scan3A_1216 : i32 to index
        %get3A_1270 = arith.constant 96 : index
        %get3A_1271 = tpu.vector_load %arg6[%get3A_1268, %get3A_1269, %get3A_1270] {strides = array<i32>} : memref<4x100x128xf32, #tpu.memory_space<vmem>>, vector<1x1x16xf32>,
        %get3A_1272 = vector.shape_cast %get3A_1271 : vector<1x1x16xf32> to vector<16xf32>
        %add3A_1273 = arith.addf %scan3A_1223, %get3A_1272 : vector<16xf32>
        %get3A_1274 = arith.constant 3 : i32
        %get3A_1275 = arith.index_cast %get3A_1274 : i32 to index
        %get3A_1276 = arith.index_cast %scan3A_1216 : i32 to index
        %get3A_1277 = arith.constant 112 : index
        %get3A_1278 = tpu.vector_load %arg6[%get3A_1275, %get3A_1276, %get3A_1277] {strides = array<i32>} : memref<4x100x128xf32, #tpu.memory_space<vmem>>, vector<1x1x16xf32>,
        %get3A_1279 = vector.shape_cast %get3A_1278 : vector<1x1x16xf32> to vector<16xf32>
        %add3A_1280 = arith.addf %scan3A_1224, %get3A_1279 : vector<16xf32>
        scf.yield %add3A_1231, %add3A_1238, %add3A_1245, %add3A_1252, %add3A_1259, %add3A_1266, %add3A_1273, %add3A_1280 : vector<16xf32>, vector<16xf32>, vector<16xf32>, vector<16xf32>, vector<16xf32>, vector<16xf32>, vector<16xf32>, vector<16xf32>
      }
      %scan3A_1136 = arith.constant 49 : i32
      %mul3A_1137 = arith.constant 2 : i32
      %mul3A_1138 = arith.muli %mul3A_1137, %add3A_928 : i32
      %add3A_1139 = arith.constant 1 : i32
      %add3A_1140 = arith.addi %mul3A_1138, %add3A_1139 : i32
      %swap3A_1141 = arith.index_cast %add3A_1140 : i32 to index
      %swap3A_1142 = arith.constant 0 : index
      %swap3A_1143 = tpu.vector_load %arg7[%swap3A_1141, %swap3A_1142] {strides = array<i32>} : memref<128x128xf32, #tpu.memory_space<vmem>>, vector<1x16xf32>,
      %swap3A_1144 = vector.shape_cast %swap3A_1143 : vector<1x16xf32> to vector<16xf32>
      %swap3A_1145 = vector.shape_cast %scan3A_1135#0 : vector<16xf32> to vector<1x16xf32>
      tpu.vector_store %arg7[%swap3A_1141, %swap3A_1142], %swap3A_1145 {strides = array<i32>} : memref<128x128xf32, #tpu.memory_space<vmem>>, vector<1x16xf32>,
      %mul3A_1146 = arith.constant 2 : i32
      %mul3A_1147 = arith.muli %mul3A_1146, %add3A_928 : i32
      %add3A_1148 = arith.constant 1 : i32
      %add3A_1149 = arith.addi %mul3A_1147, %add3A_1148 : i32
      %swap3A_1150 = arith.index_cast %add3A_1149 : i32 to index
      %swap3A_1151 = arith.constant 16 : index
      %swap3A_1152 = tpu.vector_load %arg7[%swap3A_1150, %swap3A_1151] {strides = array<i32>} : memref<128x128xf32, #tpu.memory_space<vmem>>, vector<1x16xf32>,
      %swap3A_1153 = vector.shape_cast %swap3A_1152 : vector<1x16xf32> to vector<16xf32>
      %swap3A_1154 = vector.shape_cast %scan3A_1135#1 : vector<16xf32> to vector<1x16xf32>
      tpu.vector_store %arg7[%swap3A_1150, %swap3A_1151], %swap3A_1154 {strides = array<i32>} : memref<128x128xf32, #tpu.memory_space<vmem>>, vector<1x16xf32>,
      %mul3A_1155 = arith.constant 2 : i32
      %mul3A_1156 = arith.muli %mul3A_1155, %add3A_928 : i32
      %add3A_1157 = arith.constant 1 : i32
      %add3A_1158 = arith.addi %mul3A_1156, %add3A_1157 : i32
      %swap3A_1159 = arith.index_cast %add3A_1158 : i32 to index
      %swap3A_1160 = arith.constant 32 : index
      %swap3A_1161 = tpu.vector_load %arg7[%swap3A_1159, %swap3A_1160] {strides = array<i32>} : memref<128x128xf32, #tpu.memory_space<vmem>>, vector<1x16xf32>,
      %swap3A_1162 = vector.shape_cast %swap3A_1161 : vector<1x16xf32> to vector<16xf32>
      %swap3A_1163 = vector.shape_cast %scan3A_1135#2 : vector<16xf32> to vector<1x16xf32>
      tpu.vector_store %arg7[%swap3A_1159, %swap3A_1160], %swap3A_1163 {strides = array<i32>} : memref<128x128xf32, #tpu.memory_space<vmem>>, vector<1x16xf32>,
      %mul3A_1164 = arith.constant 2 : i32
      %mul3A_1165 = arith.muli %mul3A_1164, %add3A_928 : i32
      %add3A_1166 = arith.constant 1 : i32
      %add3A_1167 = arith.addi %mul3A_1165, %add3A_1166 : i32
      %swap3A_1168 = arith.index_cast %add3A_1167 : i32 to index
      %swap3A_1169 = arith.constant 48 : index
      %swap3A_1170 = tpu.vector_load %arg7[%swap3A_1168, %swap3A_1169] {strides = array<i32>} : memref<128x128xf32, #tpu.memory_space<vmem>>, vector<1x16xf32>,
      %swap3A_1171 = vector.shape_cast %swap3A_1170 : vector<1x16xf32> to vector<16xf32>
      %swap3A_1172 = vector.shape_cast %scan3A_1135#3 : vector<16xf32> to vector<1x16xf32>
      tpu.vector_store %arg7[%swap3A_1168, %swap3A_1169], %swap3A_1172 {strides = array<i32>} : memref<128x128xf32, #tpu.memory_space<vmem>>, vector<1x16xf32>,
      %mul3A_1173 = arith.constant 2 : i32
      %mul3A_1174 = arith.muli %mul3A_1173, %add3A_928 : i32
      %add3A_1175 = arith.constant 1 : i32
      %add3A_1176 = arith.addi %mul3A_1174, %add3A_1175 : i32
      %swap3A_1177 = arith.index_cast %add3A_1176 : i32 to index
      %swap3A_1178 = arith.constant 64 : index
      %swap3A_1179 = tpu.vector_load %arg7[%swap3A_1177, %swap3A_1178] {strides = array<i32>} : memref<128x128xf32, #tpu.memory_space<vmem>>, vector<1x16xf32>,
      %swap3A_1180 = vector.shape_cast %swap3A_1179 : vector<1x16xf32> to vector<16xf32>
      %swap3A_1181 = vector.shape_cast %scan3A_1135#4 : vector<16xf32> to vector<1x16xf32>
      tpu.vector_store %arg7[%swap3A_1177, %swap3A_1178], %swap3A_1181 {strides = array<i32>} : memref<128x128xf32, #tpu.memory_space<vmem>>, vector<1x16xf32>,
      %mul3A_1182 = arith.constant 2 : i32
      %mul3A_1183 = arith.muli %mul3A_1182, %add3A_928 : i32
      %add3A_1184 = arith.constant 1 : i32
      %add3A_1185 = arith.addi %mul3A_1183, %add3A_1184 : i32
      %swap3A_1186 = arith.index_cast %add3A_1185 : i32 to index
      %swap3A_1187 = arith.constant 80 : index
      %swap3A_1188 = tpu.vector_load %arg7[%swap3A_1186, %swap3A_1187] {strides = array<i32>} : memref<128x128xf32, #tpu.memory_space<vmem>>, vector<1x16xf32>,
      %swap3A_1189 = vector.shape_cast %swap3A_1188 : vector<1x16xf32> to vector<16xf32>
      %swap3A_1190 = vector.shape_cast %scan3A_1135#5 : vector<16xf32> to vector<1x16xf32>
      tpu.vector_store %arg7[%swap3A_1186, %swap3A_1187], %swap3A_1190 {strides = array<i32>} : memref<128x128xf32, #tpu.memory_space<vmem>>, vector<1x16xf32>,
      %mul3A_1191 = arith.constant 2 : i32
      %mul3A_1192 = arith.muli %mul3A_1191, %add3A_928 : i32
      %add3A_1193 = arith.constant 1 : i32
      %add3A_1194 = arith.addi %mul3A_1192, %add3A_1193 : i32
      %swap3A_1195 = arith.index_cast %add3A_1194 : i32 to index
      %swap3A_1196 = arith.constant 96 : index
      %swap3A_1197 = tpu.vector_load %arg7[%swap3A_1195, %swap3A_1196] {strides = array<i32>} : memref<128x128xf32, #tpu.memory_space<vmem>>, vector<1x16xf32>,
      %swap3A_1198 = vector.shape_cast %swap3A_1197 : vector<1x16xf32> to vector<16xf32>
      %swap3A_1199 = vector.shape_cast %scan3A_1135#6 : vector<16xf32> to vector<1x16xf32>
      tpu.vector_store %arg7[%swap3A_1195, %swap3A_1196], %swap3A_1199 {strides = array<i32>} : memref<128x128xf32, #tpu.memory_space<vmem>>, vector<1x16xf32>,
      %mul3A_1200 = arith.constant 2 : i32
      %mul3A_1201 = arith.muli %mul3A_1200, %add3A_928 : i32
      %add3A_1202 = arith.constant 1 : i32
      %add3A_1203 = arith.addi %mul3A_1201, %add3A_1202 : i32
      %swap3A_1204 = arith.index_cast %add3A_1203 : i32 to index
      %swap3A_1205 = arith.constant 112 : index
      %swap3A_1206 = tpu.vector_load %arg7[%swap3A_1204, %swap3A_1205] {strides = array<i32>} : memref<128x128xf32, #tpu.memory_space<vmem>>, vector<1x16xf32>,
      %swap3A_1207 = vector.shape_cast %swap3A_1206 : vector<1x16xf32> to vector<16xf32>
      %swap3A_1208 = vector.shape_cast %scan3A_1135#7 : vector<16xf32> to vector<1x16xf32>
      tpu.vector_store %arg7[%swap3A_1204, %swap3A_1205], %swap3A_1208 {strides = array<i32>} : memref<128x128xf32, #tpu.memory_space<vmem>>, vector<1x16xf32>,
      %add3A_1209 = arith.constant 4 : i32
      %add3A_1210 = arith.addi %add3A_928, %add3A_1209 : i32
      %lt3A_1211 = arith.constant 64 : i32
      %lt3A_1212 = arith.cmpi slt, %add3A_1210, %lt3A_1211 : i32
      %convert_element_type3A_1213 = arith.extui %lt3A_1212 : i1 to i32
      %cond3A_1214 = arith.constant 0 : i32
      %cond3A_1215 = arith.cmpi ne, %convert_element_type3A_1213, %cond3A_1214 : i32
      scf.if %cond3A_1215 {
        %dma_start3A_1216 = arith.constant 3 : i32
        %dma_start3A_1217 = arith.constant 0 : i32
        %dma_start3A_1218 = arith.constant 0 : i32
        %dma_start3A_1219 = tpu.memref_slice %arg6[%dma_start3A_1216, %dma_start3A_1217, %dma_start3A_1218] : memref<4x100x128xf32, #tpu.memory_space<vmem>> -> memref<1x100x128xf32, #tpu.memory_space<vmem>>
        %dma_start3A_1220 = tpu.memref_squeeze %dma_start3A_1219 : memref<1x100x128xf32, #tpu.memory_space<vmem>> -> memref<100x128xf32, #tpu.memory_space<vmem>>
        %dma_start3A_1221 = arith.constant 0 : i32
        %dma_start3A_1222 = tpu.memref_slice %arg5[%add3A_1210, %dma_start3A_1221] : memref<64x100xi32, #tpu.memory_space<vmem>> -> memref<1x100xi32, #tpu.memory_space<vmem>>
        %dma_start3A_1223 = tpu.memref_squeeze %dma_start3A_1222 : memref<1x100xi32, #tpu.memory_space<vmem>> -> memref<100xi32, #tpu.memory_space<vmem>>
        %dma_start3A_1224 = arith.constant 0 : i32
        %dma_start3A_1225 = arith.constant 0 : i32
        %dma_start3A_1226 = tpu.memref_slice %arg3[%dma_start3A_1224, %dma_start3A_1225] : memref<100000x128xf32, #tpu.memory_space<hbm>> -> memref<100000x128xf32, #tpu.memory_space<hbm>>
        tpu.enqueue_indirect_dma source(%dma_start3A_1226 : memref<100000x128xf32, #tpu.memory_space<hbm>>) target(%dma_start3A_1220 : memref<100x128xf32, #tpu.memory_space<vmem>>) offsets(%dma_start3A_1223 : memref<100xi32, #tpu.memory_space<vmem>>) semaphore(%arg11 : memref<!tpu.dma_semaphore, #tpu.memory_space<semaphore_mem>>)
      } else {
      }
    }
    %scan3A_54 = arith.constant 16 : i32
    %mul3A_55 = arith.constant 128 : i32
    %mul3A_56 = arith.muli %add3A, %mul3A_55 : i32
    "tpu.region"() ({
      %run_scoped3A = tpu.sem_alloc : memref<!tpu.dma_semaphore, #tpu.memory_space<semaphore_mem>>
      %dma_start3A_57 = arith.constant 0 : i32
      %dma_start3A_58 = tpu.memref_slice %arg4[%mul3A_56, %dma_start3A_57] : memref<4096x128xf32, #tpu.memory_space<hbm>> -> memref<128x128xf32, #tpu.memory_space<hbm>>
      %dma_start3A_59 = arith.constant 0 : i32
      %dma_start3A_60 = tpu.memref_slice %arg4[%mul3A_56, %dma_start3A_59] : memref<4096x128xf32, #tpu.memory_space<hbm>> -> memref<128x128xf32, #tpu.memory_space<hbm>>
      tpu.enqueue_dma source(%arg7 : memref<128x128xf32, #tpu.memory_space<vmem>>) target(%dma_start3A_60 : memref<128x128xf32, #tpu.memory_space<hbm>>) target_semaphore(%run_scoped3A : memref<!tpu.dma_semaphore, #tpu.memory_space<semaphore_mem>>)
      %dma_wait3A = arith.constant 0 : i32
      %dma_wait3A_61 = tpu.memref_slice %arg4[%mul3A_56, %dma_wait3A] : memref<4096x128xf32, #tpu.memory_space<hbm>> -> memref<128x128xf32, #tpu.memory_space<hbm>>
      %dma_wait3A_62 = arith.constant 0 : i32
      %dma_wait3A_63 = tpu.memref_slice %arg4[%mul3A_56, %dma_wait3A_62] : memref<4096x128xf32, #tpu.memory_space<hbm>> -> memref<128x128xf32, #tpu.memory_space<hbm>>
      tpu.wait_dma2 semaphore(%run_scoped3A : memref<!tpu.dma_semaphore, #tpu.memory_space<semaphore_mem>>) src(%arg7 : memref<128x128xf32, #tpu.memory_space<vmem>>) dst(%dma_wait3A_63 : memref<128x128xf32, #tpu.memory_space<hbm>>)
      tpu.yield
    }) : () -> ()
    return
  }
}

module attributes {stable_mosaic.version = 14 : i64} {
  func.func @_head_body(%arg0: i32, %arg1: memref<4096x128xf32, #tpu.memory_space<vmem>>, %arg2: memref<64x128xf32, #tpu.memory_space<vmem>>, %arg3: memref<1x64xf32, #tpu.memory_space<vmem>>, %arg4: memref<4096x64xf32, #tpu.memory_space<vmem>>) attributes {dimension_semantics = [#tpu.dimension_semantics<arbitrary>], iteration_bounds = array<i64: 1>, scalar_prefetch = 0 : i64, scratch_operands = 0 : i64, tpu.core_type = #tpu.core_type<tc>, window_params = [{transform_indices = @transform_0, window_bounds = array<i64: 4096, 128>}, {pipeline_mode = #tpu.pipeline_mode<synchronous>, transform_indices = @transform_1, window_bounds = array<i64: 64, 128>}, {pipeline_mode = #tpu.pipeline_mode<synchronous>, transform_indices = @transform_2, window_bounds = array<i64: 1, 64>}, {transform_indices = @transform_3, window_bounds = array<i64: 4096, 64>}]} {
    %get3A = arith.constant 0 : index
    %get3A_0 = arith.constant 0 : index
    %get3A_1 = vector.load %arg1[%get3A, %get3A_0] : memref<4096x128xf32, #tpu.memory_space<vmem>>, vector<4096x128xf32>
    %get3A_2 = arith.constant 0 : index
    %get3A_3 = arith.constant 0 : index
    %get3A_4 = vector.load %arg2[%get3A_2, %get3A_3] : memref<64x128xf32, #tpu.memory_space<vmem>>, vector<64x128xf32>
    %dot_general3A = arith.constant dense<0.000000e+00> : vector<4096x64xf32>
    %dot_general3A_5 = tpu.matmul %get3A_1, %get3A_4, %dot_general3A {dimension_numbers = #tpu.dot_dimension_numbers<[1], [1], [0], [0], [0, 0, 1, 0], [], []>, transpose_lhs_hint = false} : vector<4096x128xf32>, vector<64x128xf32>, vector<4096x64xf32> -> vector<4096x64xf32>
    %get3A_6 = arith.constant 0 : index
    %get3A_7 = arith.constant 0 : index
    %get3A_8 = vector.load %arg3[%get3A_6, %get3A_7] : memref<1x64xf32, #tpu.memory_space<vmem>>, vector<1x64xf32>
    %add3A = vector.broadcast %get3A_8 : vector<1x64xf32> to vector<4096x64xf32>
    %add3A_9 = arith.addf %dot_general3A_5, %add3A : vector<4096x64xf32>
    %reduce_max3A = arith.constant dense<0xFF800000> : vector<4096xf32>
    %reduce_max3A_10 = vector.multi_reduction <maximumf>, %add3A_9, %reduce_max3A [1] : vector<4096x64xf32> to vector<4096xf32>
    %broadcast_in_dim3A = vector.shape_cast %reduce_max3A_10 : vector<4096xf32> to vector<4096x1xf32>
    %sub3A = vector.broadcast %broadcast_in_dim3A : vector<4096x1xf32> to vector<4096x64xf32>
    %sub3A_11 = arith.subf %add3A_9, %sub3A : vector<4096x64xf32>
    %exp3A = math.exp %sub3A_11 : vector<4096x64xf32>
    %reduce_sum3A = arith.constant dense<0.000000e+00> : vector<4096xf32>
    %reduce_sum3A_12 = vector.multi_reduction <add>, %exp3A, %reduce_sum3A [1] : vector<4096x64xf32> to vector<4096xf32>
    %broadcast_in_dim3A_13 = vector.shape_cast %reduce_sum3A_12 : vector<4096xf32> to vector<4096x1xf32>
    %log3A = math.log %broadcast_in_dim3A_13 : vector<4096x1xf32>
    %sub3A_14 = vector.broadcast %log3A : vector<4096x1xf32> to vector<4096x64xf32>
    %sub3A_15 = arith.subf %sub3A_11, %sub3A_14 : vector<4096x64xf32>
    %swap3A = arith.constant 0 : index
    %swap3A_16 = arith.constant 0 : index
    %swap3A_17 = vector.load %arg4[%swap3A, %swap3A_16] : memref<4096x64xf32, #tpu.memory_space<vmem>>, vector<4096x64xf32>
    tpu.vector_store %arg4[%swap3A, %swap3A_16], %sub3A_15 {strides = array<i32>} : memref<4096x64xf32, #tpu.memory_space<vmem>>, vector<4096x64xf32>,
    return
  }
  func.func @transform_0(%arg0: i32) -> (i32, i32) {
    %c0_i32 = arith.constant 0 : i32
    %c0_i32_0 = arith.constant 0 : i32
    return %arg0, %c0_i32 : i32, i32
  }
  func.func @transform_1(%arg0: i32) -> (i32, i32) {
    %c0_i32 = arith.constant 0 : i32
    %c0_i32_0 = arith.constant 0 : i32
    %c0_i32_1 = arith.constant 0 : i32
    return %c0_i32, %c0_i32_0 : i32, i32
  }
  func.func @transform_2(%arg0: i32) -> (i32, i32) {
    %c0_i32 = arith.constant 0 : i32
    %c0_i32_0 = arith.constant 0 : i32
    %c0_i32_1 = arith.constant 0 : i32
    return %c0_i32, %c0_i32_0 : i32, i32
  }
  func.func @transform_3(%arg0: i32) -> (i32, i32) {
    %c0_i32 = arith.constant 0 : i32
    %c0_i32_0 = arith.constant 0 : i32
    return %arg0, %c0_i32 : i32, i32
  }
}

</mosaic_0001>

<sc_bundles>
// kernel: kernel.4.cloned.1.call-start
scs
__scs_entry_jumppad:
0x0: {  	(pc) =	sbr.rel $0x88, $3  }
0x1: {  	(tag) =	ssettag $0x0;
	lr =	simm.s32 $0x1  }
0x2: {  	[smem:$0x3F9D] =	sst lr;
	_ =	strace $0xD0000000  }
0x3: {  	_ = 	snop  }
0x4: {  	_ = 	snop  }
0x5: {  	_ = 	snop  }
0x6: {  	_ = 	snop  }
0x7: {  	_ = 	snop  }
__scs_overlays_trampoline_lowered:
0x8: {  	[smem:$0x3FAC] =	sst s0  }
0x9: {  	[smem:$0x3FAD] =	sst s1  }
0xa: {  	[smem:$0x3FAE] =	sst s2  }
0xb: {  	[smem:$0x3FAF] =	sst s3  }
0xc: {  	[smem:$0x3FB0] =	sst s4  }
0xd: {  	[smem:$0x3FB1] =	sst s5  }
0xe: {  	[smem:$0x3FB2] =	sst s6  }
0xf: {  	[smem:$0x3FB3] =	sst s7  }
0x10: {  	[smem:$0x3FB4] =	sst s8  }
0x11: {  	[smem:$0x3FB5] =	sst s9;
	s0 =	simm.s32 @!p0 $0x0  }
0x12: {  	s1 =	sld [smem:$0x3F9B];
	s0 =	simm.s32 @p0 $0x1  }
0x13: {  	[smem:$0x3FB6] =	sst s0;
	s0 =	simm.s32 @!p1 $0x0  }
0x14: {  	s2 =	sld [smem:$0x3F9A];
	s0 =	simm.s32 @p1 $0x1  }
0x15: {  	[smem:$0x3FB7] =	sst s0;
	s0 =	simm.s32 @!p2 $0x0  }
0x16: {  	s3 =	sld [smem:$0x3FDB];
	s0 =	simm.s32 @p2 $0x1  }
0x17: {  	s4 =	simm.s32 $0x1BF5;
	[smem:$0x3FB9] =	sst s0  }
0x18: {  	s0 =	sld [smem:$0x3F9C];
	_ =	swait.ge [sflag:s4], $0x0  }
0x19: {  	s7 =	sld [smem:$0x3F9D]  }
0x1a: {  	s8 =	sadd.s32 $0xFFFFE003, lr  }
0x1b: {  	s9 =	sadd.s32 $0xFFFFFEF7, lr;
	s5 =	simm.s32 $0xFFFFFFFF;
	p2 =	slt.u32 s8, $0xFFFFF086  }
0x1c: {  	p1 =	slt.u32 s9, $0xF7A;
	s5 =	simm.s32 @!p2 $0x0  }
0x1d: {  	s5 =	simm.s32 @p1 $0x1;
	p0 =	seq.s32 s7, s2  }
0x1e: {  	s7 =	smul.u32 @!p0 $0xF7A, s2;
	p2 =	seq.s32 @!p0 s5, $0x0  }
0x1f: {  	s9 =	smul.u32 $0xF7A, s1;
	s8 =	simm.s32 @!p0 $0x1BF5;
	p2 =	por !p2, p0  }
0x20: {  	[sflag:s8] =	ssyncset.s32 @!p0 $0xFFFFF086;
	s6 =	sadd.s32 @!p0 s3, s7;
	s7 =	simm.s32 @!p0 $0x108  }
0x21: {  	s3 =	sadd.s32 s3, s9;
	s6 =	sadd.s32 @!p0 $0x88, s6;
	s7 =	simm.s32 @p2 $0x1082  }
0x22: {  	[simem:s7], [sflag:s8] =	dma.local @!p0 [hbm:s6], $0xF7A  }
0x23: {  	s9 =	sor.u32 $0xD0000000, s2;
	s6 =	simm.s32 $0x108;
	_ =	swait.ge @!p0 [sflag:s8], $0x0  }
0x24: {  	s3 =	sadd.s32 $0x88, s3;
	s6 =	simm.s32 @!p1 $0x1082;
	[sflag:s4] =	ssyncset.s32 $0xFFFFF086  }
0x25: {  	[simem:s6], [sflag:s4] =	dma.local [hbm:s3], $0xF7A  }
0x26: {  	[smem:$0x3F9D] =	sst s1;
	(tag) =	ssettag s2;
	_ =	strace s9  }
0x27: {  	s1 =	sld [smem:$0x3FAD]  }
0x28: {  	s2 =	sld [smem:$0x3FAE]  }
0x29: {  	s4 =	sld [smem:$0x3FB0]  }
0x2a: {  	p0 =	seq.s32 s5, $0x0;
	s5 =	sld [smem:$0x3FB1]  }
0x2b: {  	s6 =	sld [smem:$0x3FB2]  }
0x2c: {  	s7 =	sld [smem:$0x3FB3]  }
0x2d: {  	s3 =	simm.s32 $0x108;
	s8 =	sld [smem:$0x3FB4]  }
0x2e: {  	s3 =	simm.s32 @!p0 $0x1082;
	s9 =	sld [smem:$0x3FB5]  }
0x2f: {  	lr =	sadd.s32 s0, s3;
	s0 =	sld [smem:$0x3FAC]  }
0x30: {  	s3 =	sld [smem:$0x3FAF]  }
0x31: {  	[smem:$0x3FB8] =	sst s10  }
0x32: {  	s10 =	sld [smem:$0x3FB6];
	_ =	sdelay $0x3  }
0x33: {  	p0 =	seq.s32 s10, $0x1;
	s10 =	sld [smem:$0x3FB8];
	_ =	sdelay $0x3  }
0x34: {  	[smem:$0x3FB8] =	sst s10  }
0x35: {  	s10 =	sld [smem:$0x3FB7];
	_ =	sdelay $0x3  }
0x36: {  	p1 =	seq.s32 s10, $0x1;
	s10 =	sld [smem:$0x3FB8];
	_ =	sdelay $0x3  }
0x37: {  	[smem:$0x3FB8] =	sst s10  }
0x38: {  	s10 =	sld [smem:$0x3FB9]  }
0x39: {  	_ = 	snop;
	(pc) =	sbr.ind lr, $3  }
0x3a: {  	_ = 	snop  }
0x3b: {  	_ = 	snop  }
0x3c: {  	p2 =	seq.s32 s10, $0x1;
	s10 =	sld [smem:$0x3FB8]  }
0x3d: {  	_ =	shalt  }
0x3e: {  	_ =	shalt  }
0x3f: {  	_ =	shalt  }
0x40: {  	_ =	shalt  }
0x41: {  	_ =	shalt  }
0x42: {  	_ =	shalt  }
0x43: {  	_ =	shalt  }
0x44: {  	_ =	shalt  }
0x45: {  	_ =	shalt  }
0x46: {  	_ =	shalt  }
0x47: {  	_ =	shalt  }
0x48: {  	_ =	shalt  }
0x49: {  	_ =	shalt  }
0x4a: {  	_ =	shalt  }
0x4b: {  	_ =	shalt  }
0x4c: {  	_ =	shalt  }
0x4d: {  	_ =	shalt  }
0x4e: {  	_ =	shalt  }
0x4f: {  	_ =	shalt  }
0x50: {  	_ =	shalt  }
0x51: {  	_ =	shalt  }
0x52: {  	_ =	shalt  }
0x53: {  	_ =	shalt  }
0x54: {  	_ =	shalt  }
0x55: {  	_ =	shalt  }
0x56: {  	_ =	shalt  }
0x57: {  	_ =	shalt  }
0x58: {  	_ =	shalt  }
0x59: {  	_ =	shalt  }
0x5a: {  	_ =	shalt  }
0x5b: {  	_ =	shalt  }
0x5c: {  	_ =	shalt  }
0x5d: {  	_ =	shalt  }
0x5e: {  	_ =	shalt  }
0x5f: {  	_ =	shalt  }
0x60: {  	_ =	shalt  }
0x61: {  	_ =	shalt  }
0x62: {  	_ =	shalt  }
0x63: {  	_ =	shalt  }
0x64: {  	_ =	shalt  }
0x65: {  	_ =	shalt  }
0x66: {  	_ =	shalt  }
0x67: {  	_ =	shalt  }
0x68: {  	_ =	shalt  }
0x69: {  	_ =	shalt  }
0x6a: {  	_ =	shalt  }
0x6b: {  	_ =	shalt  }
0x6c: {  	_ =	shalt  }
0x6d: {  	_ =	shalt  }
0x6e: {  	_ =	shalt  }
0x6f: {  	_ =	shalt  }
0x70: {  	_ =	shalt  }
0x71: {  	_ =	shalt  }
0x72: {  	_ =	shalt  }
0x73: {  	_ =	shalt  }
0x74: {  	_ =	shalt  }
0x75: {  	_ =	shalt  }
0x76: {  	_ =	shalt  }
0x77: {  	_ =	shalt  }
0x78: {  	_ =	shalt  }
0x79: {  	_ =	shalt  }
0x7a: {  	_ =	shalt  }
0x7b: {  	_ =	shalt  }
0x7c: {  	_ =	shalt  }
0x7d: {  	_ =	shalt  }
0x7e: {  	_ =	shalt  }
0x7f: {  	_ =	shalt  }
0x80: {  	_ =	shalt  }
0x81: {  	_ =	shalt  }
0x82: {  	_ =	shalt  }
0x83: {  	_ =	shalt  }
0x84: {  	_ =	shalt  }
0x85: {  	_ =	shalt  }
0x86: {  	_ =	shalt  }
0x87: {  	_ =	shalt  }
.Lfunc_end0:
.L_simem_size_0:
called_computation_lowered:
.L_overlay_start_0:
0x88: {  	s2 =	sld [smem:$0x3FD9]  }
0x89: {  	s3 =	sld [smem:$0x3FFE];
	_ =	sdelay $0x1  }
0x8a: {  	s1 =	srdreg.scid  }
0x8b: {  	s0 =	sand.u32 $0x1, s1  }
0x8c: {  	s17 =	sshll.u32 s0, $0xA;
	s2 =	sadd.s32 s3, s2  }
0x8d: {  	s2 =	sadd.s32 s2, s17  }
0x8e: {  	[smem:$0x3FC4] =	sst s2  }
0x8f: {  	_ = 	snop  }
0x90: {  	s2 =	sld [smem:$0x3FC8]  }
0x91: {  	s18 =	sld [smem:$0x3FD0];
	(tm) =	ssettm $0x1  }
0x92: {  	s4 =	sld [smem:$0x3FFB];
	_ =	sdelay $0x3  }
0x93: {  	_ =	strace s4  }
0x94: {  	s4 =	sld [smem:$0x3FFC];
	_ =	sdelay $0x3  }
0x95: {  	_ =	strace s4  }
0x96: {  	s4 =	sld [smem:$0x3FFD];
	_ =	sdelay $0x3  }
0x97: {  	_ =	strace s4  }
0x98: {  	_ =	strace $0x8FFFFFFF  }
0x99: {  	s19 =	sld [smem:$0x3FDB];
	_ =	sdelay $0x1  }
0x9a: {  	s5 =	simm.s32 $_scs_section_size  }
0x9b: {  	s6 =	simm.s32 $_size__tile_overlayer_lowered;
	s7 =	simm.s32 $_tile_overlayer_lowered  }
0x9c: {  	s22 =	simm.s32 $0x1BFF;
	s21 =	sshll.u32 s7, $0x1;
	s4 =	sadd.s32 s5, s19  }
0x9d: {  	s8 =	simm.s32 $0x0;
	s20 =	sshll.u32 s6, $0x1;
	s6 =	sadd.s32 s21, s4  }
0x9e: {  	[timem:s8], [sflag:s22] =	dma.local [hbm:s6], s20  }
0x9f: {  	_ =	swait.ge [sflag:s22], s20  }
0xa0: {  	s5 =	ssub.s32 $0x0, s20;
	[sflag:s22] =	ssyncset.done $0x0  }
0xa1: {  	[sflag:s22] =	ssyncadd.s32 s5;
	_ =	sdelay $0x1  }
0xa2: {  	s23 =	simm.s32 $0x1B8B  }
0xa3: {  	_ =	swait.ge [sflag:s23], $0x1  }
0xa4: {  	[sflag:s23] =	ssyncset.done $0x0  }
0xa5: {  	s25 =	simm.s32 $0x1B8E;
	s24 =	sld [smem:$0x3FFE];
	[sflag:s23] =	ssyncadd.s32 $0xFFFFFFFF  }
0xa6: {  	s26 =	simm.s32 $execute0_lowered;
	[smem:$0x3FD2] =	sst s25  }
0xa7: {  	s6 =	sshll.u32 s26, $0x1;
	_ =	strace $0x80000046;
	[dreg:$0x1] =	wrdreg $0xFFFFFFFF  }
0xa8: {  	s28 =	simm.s32 $_size_execute0_lowered;
	s4 =	sadd.s32 s4, s6;
	[dreg:$0x0] =	wrdreg $0x0  }
0xa9: {  	s6 =	sshll.u32 s28, $0x1;
	[dreg:$0x2] =	wrdreg s4  }
0xaa: {  	[dreg:$0x3] =	wrdreg s6  }
0xab: {  	[dreg:$0x4] =	wrdreg $0xC0  }
0xac: {  	_ =	task [dreg:s8], $0x5FFFF  }
0xad: {  	[dreg:$0x1] =	wrdreg $0xFFFFFFFF  }
0xae: {  	[dreg:$0x0] =	wrdreg $0x60  }
0xaf: {  	[dreg:$0x2] =	wrdreg s18  }
0xb0: {  	[dreg:$0x3] =	wrdreg s2  }
0xb1: {  	[dreg:$0x4] =	wrdreg s24  }
0xb2: {  	[dreg:$0x5] =	wrdreg $0x9  }
0xb3: {  	_ =	task.clear_ibuf [dreg:s8], $0x6FFFF;
	_ =	strace $0x90000046  }
0xb4: {  	s29 =	simm.s32 $0x9;
	_ =	strace $0x80000048  }
0xb5: {  	_ =	swait.ge [sflag:s29], $0x1  }
0xb6: {  	[sflag:s29] =	ssyncadd.s32 $0xFFFFFFFF  }
0xb7: {  	_ =	strace $0x90000048  }
0xb8: {  	_ =	sfence  }
0xb9: {  	s30 =	sld [smem:$0x0];
	_ =	sdelay $0x2  }
0xba: {  	s31 =	sshll.u32 s1, $0xD;
	s1 =	sshrl.u32 s1, $0x2  }
0xbb: {  	s3 =	sand.u32 $0x4000, s31;
	s1 =	sadd.s32 s1, s30  }
0xbc: {  	s0 =	sor.u32 s3, s0;
	s1 =	sshll.u32 s1, $0x11  }
0xbd: {  	s0 =	sor.u32 s1, s0  }
0xbe: {  	s0 =	sadd.s32 $0x8F2B, s0  }
0xbf: {  	[sflag:s0] =	ssyncadd.remote.s32 $0x1  }
0xc0: {  	_ =	sfence.sel $0xFFFF  }
0xc1: {  	[dreg:$0x0] =	wrdreg $0xFFFFFFFF;
	(pc) =	sbr.abs _section_cstart, $3  }
0xc2: {  	[dreg:$0x1] =	wrdreg $0xFFFFFFFF  }
0xc3: {  	_ =	task.clear_ibuf [dreg:s8], $0x2FFFF;
	_ =	strace $0x9FFFFFFF  }
0xc4: {  	(tm) =	ssettm $0x7FFFFFFF  }
0xc5: {  	_ =	shalt  }
tec
execute0_lowered:
.L_overlay_start_1:
0x0: {  	(tag) =	ssettag $0x1  }
0x1: {  	s4 =	rddreg [dreg:$0x0]  }
0x2: {  	s2 =	rddreg [dreg:$0x1]  }
0x3: {  	s5 =	rddreg [dreg:$0x2]  }
0x4: {  	s0 =	rddreg [dreg:$0x3]  }
0x5: {  	s6 =	srdreg.scid;
	s1 =	stileid.u32;
	s3 =	simm.s32 $0x0  }
0x6: {  	s10 =	simm.s32 $0x80;
	s11 =	simm.s32 $0x5400;
	s12 =	simm.s32 $0x100  }
0x7: {  	s13 =	simm.s32 $0x8800;
	s14 =	simm.s32 $0x180;
	s15 =	simm.s32 $0xBC00  }
0x8: {  	s16 =	simm.s32 $0x1;
	s17 =	simm.s32 $0x2;
	s18 =	simm.s32 $0x3  }
0x9: {  	s19 =	simm.s32 $0x4;
	s20 =	simm.s32 $0xF000;
	s21 =	simm.s32 $0x0  }
0xa: {  	s6 =	sand.u32 $0x1, s6;
	s7 =	sshll.u32 s1, $0x1;
	[smem:$0x7FF] =	sst s3  }
.Ltmp0:
0xb: {  	s7 =	sor.u32 s6, s7;
	s6 =	ssub.s32 $0x2, s6;
	(pc) =	sbr.rel .LBB2_1-.Ltmp0, $4  }
0xc: {  	_ =	strace $0x80000047;
	s8 =	sshll.u32 s7, $0xB;
	s9 =	sshrl.u32 s6, $0x1  }
0xd: {  	s7 =	sshll.u32 s7, $0xA;
	s5 =	sadd.s32 s8, s5;
	s6 =	ssub.s32 s6, s9  }
0xe: {  	s4 =	sadd.s32 s4, s7;
	s7 =	simm.s32 $0x5;
	s8 =	simm.s32 $0x64  }
0xf: {  	s9 =	simm.s32 $0x2000;
	s5 =	sadd.s32 $0xA00, s5;
	s6 =	smax.u32 s6, $0x1  }
.LBB2_20:
0x10: {  	s21 =	sadd.s32 $0x1, s21  }
0x11: {  	p0 =	sne.s32 s21, s6  }
.Ltmp1:
0x12: {  	_ = 	snop;
	(pc) =	sbr.rel @!p0 .LBB2_21-.Ltmp1, $4  }
0x13: {  	[hbm4b:s5+s3] =	stream.linear.scatter [tilespmem:s20], [sflag:$0x5], $0x4000, $0x38;
	[tilespmem:$0x13000] =	vst v63  }
0x14: {  	_ =	swait.ge [sflag:s7], $0x4000  }
0x15: {  	[sflag:s7] =	ssyncset.done $0x0  }
0x16: {  	[sflag:s7] =	ssyncadd.s32 $0xFFFFC000  }
.LBB2_1:
0x17: {  	[tilespmem:s3], [sflag:$0x5] =	stream.linear.gather [hbm4b:s4+s3], $0x2000, $0x38;
	[tilespmem:$0x13000] =	vst v63  }
0x18: {  	_ =	swait.ge [sflag:s7], $0x2000  }
0x19: {  	[sflag:s7] =	ssyncset.done $0x0  }
0x1a: {  	[sflag:s7] =	ssyncadd.s32 $0xFFFFE000  }
0x1b: {  	[tilespmem:s9], [sflag:$0x1] =	stream.indirect.gather [hbm4b:s2+s8], $0x80, s3, s8, $0xb8;
	[tilespmem:$0x13000] =	vst v63  }
0x1c: {  	_ = 	snop  }
0x1d: {  	[tilespmem:s11], [sflag:$0x2] =	stream.indirect.gather [hbm4b:s2+s8], $0x80, s10, s8, $0xb8;
	[tilespmem:$0x13000] =	vst v63  }
0x1e: {  	_ = 	snop  }
0x1f: {  	[tilespmem:s13], [sflag:$0x3] =	stream.indirect.gather [hbm4b:s2+s8], $0x80, s12, s8, $0xb8;
	[tilespmem:$0x13000] =	vst v63  }
0x20: {  	s22 =	simm.s32 $0x0  }
0x21: {  	[tilespmem:s15], [sflag:$0x4] =	stream.indirect.gather [hbm4b:s2+s8], $0x80, s14, s8, $0xb8;
	[tilespmem:$0x13000] =	vst v63  }
.LBB2_2:
0x22: {  	_ =	swait.ge [sflag:s16], $0x3200  }
0x23: {  	[sflag:s16] =	ssyncset.done $0x0  }
0x24: {  	[sflag:s16] =	ssyncadd.s32 $0xFFFFCE00  }
0x25: {  	v8 =	vld [tilespmem:$0x2000]  }
0x26: {  	v9 =	vld [tilespmem:$0x2010]  }
0x27: {  	v5 =	vld [tilespmem:$0x2020]  }
0x28: {  	v4 =	vld [tilespmem:$0x2030]  }
0x29: {  	v3 =	vld [tilespmem:$0x2040]  }
0x2a: {  	v1 =	vld [tilespmem:$0x2050]  }
0x2b: {  	v0 =	vld [tilespmem:$0x2060]  }
0x2c: {  	s25 =	simm.s32 $0xF0;
	v2 =	vld [tilespmem:$0x2070]  }
0x2d: {  	v7 =	vld [tilespmem:s25+$0x2000]  }
0x2e: {  	v10 =	vld [tilespmem:s25+$0x1F90]  }
0x2f: {  	v13 =	vld [tilespmem:s25+$0x1FA0]  }
0x30: {  	v12 =	vld [tilespmem:s25+$0x1FB0]  }
0x31: {  	v11 =	vld [tilespmem:s25+$0x1FC0]  }
0x32: {  	v6 =	vld [tilespmem:s25+$0x1FD0]  }
0x33: {  	v2 =	vadd.f32 v7, v2;
	v7 =	vld [tilespmem:s25+$0x1FE0]  }
0x34: {  	s23 =	simm.s32 $0x170;
	s24 =	simm.s32 $0x7C0;
	v10 =	vadd.f32 v10, v8;
	v8 =	vadd.f32 v13, v9;
	v9 =	vld [tilespmem:s25+$0x1FF0]  }
.LBB2_3:
0x35: {  	p0 =	sne.s32 s24, $0x63C0;
	v13 =	vld [tilespmem:s23+$0x2000];
	v5 =	vadd.f32 v12, v5  }
0x36: {  	v14 =	vld [tilespmem:s23+$0x1F90];
	v4 =	vadd.f32 v11, v4  }
0x37: {  	v15 =	vld [tilespmem:s23+$0x1FA0];
	v3 =	vadd.f32 v6, v3  }
.Ltmp2:
0x38: {  	v12 =	vld [tilespmem:s23+$0x1FB0];
	v1 =	vadd.f32 v7, v1;
	(pc) =	sbr.rel @p0 .LBB2_3-.Ltmp2, $4  }
0x39: {  	v11 =	vld [tilespmem:s23+$0x1FC0];
	v0 =	vadd.f32 v9, v0  }
0x3a: {  	v6 =	vld [tilespmem:s23+$0x1FD0];
	v2 =	vadd.f32 v13, v2  }
0x3b: {  	v10 =	vadd.f32 v14, v10;
	v7 =	vld [tilespmem:s23+$0x1FE0]  }
0x3c: {  	v8 =	vadd.f32 v15, v8;
	v9 =	vld [tilespmem:s23+$0x1FF0];
	s23 =	sshra.s32 s24, $0x2;
	s24 =	sadd.s32 $0x200, s24  }
0x3d: {  	v13 =	vld [tilespmem:s23+$0x2000]  }
0x3e: {  	v14 =	vld [tilespmem:s23+$0x1F90]  }
0x3f: {  	v15 =	vld [tilespmem:s23+$0x1FA0]  }
0x40: {  	v16 =	vld [tilespmem:s23+$0x1FB0]  }
0x41: {  	v17 =	vld [tilespmem:s23+$0x1FC0]  }
0x42: {  	v18 =	vld [tilespmem:s23+$0x1FD0]  }
0x43: {  	v5 =	vadd.f32 v12, v5;
	v12 =	vld [tilespmem:s23+$0x1FE0];
	s24 =	sshll.u32 s22, $0xC;
	v10 =	vadd.f32 v14, v10  }
0x44: {  	v4 =	vadd.f32 v11, v4;
	v11 =	vld [tilespmem:s23+$0x1FF0];
	s23 =	sshra.s32 s24, $0x2;
	v8 =	vadd.f32 v15, v8  }
0x45: {  	v3 =	vadd.f32 v6, v3;
	v5 =	vadd.f32 v16, v5;
	[tilespmem:s23+$0xF000] =	vst v10  }
0x46: {  	v1 =	vadd.f32 v7, v1;
	v4 =	vadd.f32 v17, v4;
	[tilespmem:s23+$0xF010] =	vst v8  }
0x47: {  	v3 =	vadd.f32 v18, v3;
	[tilespmem:s23+$0xF020] =	vst v5  }
0x48: {  	v0 =	vadd.f32 v9, v0;
	v1 =	vadd.f32 v12, v1;
	[tilespmem:s23+$0xF030] =	vst v4  }
0x49: {  	v2 =	vadd.f32 v13, v2;
	[tilespmem:s23+$0xF040] =	vst v3  }
0x4a: {  	v0 =	vadd.f32 v11, v0;
	[tilespmem:s23+$0xF050] =	vst v1  }
0x4b: {  	[tilespmem:s23+$0xF070] =	vst v2  }
0x4c: {  	[tilespmem:s23+$0xF060] =	vst v0  }
0x4d: {  	v8 =	vld [tilespmem:$0x3900]  }
0x4e: {  	v9 =	vld [tilespmem:$0x3910]  }
0x4f: {  	v5 =	vld [tilespmem:$0x3920]  }
0x50: {  	v4 =	vld [tilespmem:$0x3930]  }
0x51: {  	v3 =	vld [tilespmem:$0x3940]  }
0x52: {  	v1 =	vld [tilespmem:$0x3950]  }
0x53: {  	v0 =	vld [tilespmem:$0x3960]  }
0x54: {  	s26 =	simm.s32 $0x0;
	v2 =	vld [tilespmem:$0x3970]  }
0x55: {  	v7 =	vld [tilespmem:s26+$0x39F0]  }
0x56: {  	v11 =	vld [tilespmem:s26+$0x3980]  }
0x57: {  	v13 =	vld [tilespmem:s26+$0x3990]  }
0x58: {  	v12 =	vld [tilespmem:s26+$0x39A0]  }
0x59: {  	v10 =	vld [tilespmem:s26+$0x39B0]  }
0x5a: {  	v6 =	vld [tilespmem:s26+$0x39C0]  }
0x5b: {  	v2 =	vadd.f32 v7, v2;
	v7 =	vld [tilespmem:s26+$0x39D0]  }
0x5c: {  	s25 =	simm.s32 $0x400;
	s24 =	simm.s32 $0x80;
	v8 =	vadd.f32 v11, v8;
	v9 =	vadd.f32 v13, v9;
	v11 =	vld [tilespmem:s26+$0x39E0]  }
.LBB2_5:
0x5d: {  	p0 =	sne.s32 s25, $0x6000;
	v13 =	vld [tilespmem:s24+$0x39F0];
	v5 =	vadd.f32 v12, v5  }
0x5e: {  	v14 =	vld [tilespmem:s24+$0x3980];
	v4 =	vadd.f32 v10, v4  }
0x5f: {  	v15 =	vld [tilespmem:s24+$0x3990];
	v3 =	vadd.f32 v6, v3  }
.Ltmp3:
0x60: {  	v12 =	vld [tilespmem:s24+$0x39A0];
	v1 =	vadd.f32 v7, v1;
	(pc) =	sbr.rel @p0 .LBB2_5-.Ltmp3, $4  }
0x61: {  	v10 =	vld [tilespmem:s24+$0x39B0];
	v0 =	vadd.f32 v11, v0  }
0x62: {  	v6 =	vld [tilespmem:s24+$0x39C0];
	v2 =	vadd.f32 v13, v2  }
0x63: {  	v8 =	vadd.f32 v14, v8;
	v7 =	vld [tilespmem:s24+$0x39D0]  }
0x64: {  	v9 =	vadd.f32 v15, v9;
	v11 =	vld [tilespmem:s24+$0x39E0];
	s24 =	sshra.s32 s25, $0x2;
	s25 =	sadd.s32 $0x200, s25  }
0x65: {  	v14 =	vld [tilespmem:s24+$0x3980]  }
0x66: {  	v15 =	vld [tilespmem:s24+$0x3990]  }
0x67: {  	v16 =	vld [tilespmem:s24+$0x39A0]  }
0x68: {  	v17 =	vld [tilespmem:s24+$0x39B0]  }
0x69: {  	v18 =	vld [tilespmem:s24+$0x39C0]  }
0x6a: {  	v5 =	vadd.f32 v12, v5;
	v12 =	vld [tilespmem:s24+$0x39D0];
	v8 =	vadd.f32 v14, v8  }
0x6b: {  	v13 =	vld [tilespmem:s24+$0x39F0];
	v4 =	vadd.f32 v10, v4;
	v9 =	vadd.f32 v15, v9  }
0x6c: {  	v10 =	vld [tilespmem:s24+$0x39E0];
	v3 =	vadd.f32 v6, v3;
	v5 =	vadd.f32 v16, v5;
	[tilespmem:s23+$0xF080] =	vst v8  }
0x6d: {  	v1 =	vadd.f32 v7, v1;
	v4 =	vadd.f32 v17, v4;
	[tilespmem:s23+$0xF090] =	vst v9  }
0x6e: {  	v3 =	vadd.f32 v18, v3;
	[tilespmem:s23+$0xF0A0] =	vst v5  }
0x6f: {  	v0 =	vadd.f32 v11, v0;
	v1 =	vadd.f32 v12, v1;
	[tilespmem:s23+$0xF0B0] =	vst v4  }
0x70: {  	v2 =	vadd.f32 v13, v2;
	[tilespmem:s23+$0xF0C0] =	vst v3  }
0x71: {  	p0 =	seq.s32 s22, $0xF;
	s24 =	sshll.u32 s22, $0xB;
	v0 =	vadd.f32 v10, v0;
	[tilespmem:s23+$0xF0D0] =	vst v1  }
0x72: {  	s25 =	sshrl.u32 @!p0 s24, $0x2;
	[tilespmem:s23+$0xF0F0] =	vst v2  }
0x73: {  	s28 =	simm.s32 @!p0 $0x64;
	s29 =	simm.s32 @!p0 $0x2000;
	s26 =	sadd.s32 @!p0 $0x200, s25;
	[tilespmem:s23+$0xF0E0] =	vst v0  }
0x74: {  	[tilespmem:s29], [sflag:$0x1] =	stream.indirect.gather @!p0 [hbm4b:s2+s28], $0x80, s26, s28, $0xb8;
	[tilespmem:$0x13000] =	vst v63  }
0x75: {  	_ =	swait.ge [sflag:s17], $0x3200  }
0x76: {  	[sflag:s17] =	ssyncset.done $0x0  }
0x77: {  	[sflag:s17] =	ssyncadd.s32 $0xFFFFCE00  }
0x78: {  	v8 =	vld [tilespmem:$0x5400]  }
0x79: {  	v9 =	vld [tilespmem:$0x5410]  }
0x7a: {  	v5 =	vld [tilespmem:$0x5420]  }
0x7b: {  	v4 =	vld [tilespmem:$0x5430]  }
0x7c: {  	v3 =	vld [tilespmem:$0x5440]  }
0x7d: {  	v1 =	vld [tilespmem:$0x5450]  }
0x7e: {  	v0 =	vld [tilespmem:$0x5460]  }
0x7f: {  	s31 =	simm.s32 $0x0;
	v2 =	vld [tilespmem:$0x5470]  }
0x80: {  	v7 =	vld [tilespmem:s31+$0x54F0]  }
0x81: {  	v11 =	vld [tilespmem:s31+$0x5480]  }
0x82: {  	v13 =	vld [tilespmem:s31+$0x5490]  }
0x83: {  	v12 =	vld [tilespmem:s31+$0x54A0]  }
0x84: {  	v10 =	vld [tilespmem:s31+$0x54B0]  }
0x85: {  	v6 =	vld [tilespmem:s31+$0x54C0]  }
0x86: {  	v2 =	vadd.f32 v7, v2;
	v7 =	vld [tilespmem:s31+$0x54D0]  }
0x87: {  	s26 =	simm.s32 $0x80;
	s28 =	simm.s32 $0x400;
	v8 =	vadd.f32 v11, v8;
	v9 =	vadd.f32 v13, v9;
	v11 =	vld [tilespmem:s31+$0x54E0]  }
.LBB2_7:
0x88: {  	p1 =	sne.s32 s28, $0x6000;
	v13 =	vld [tilespmem:s26+$0x54F0];
	v5 =	vadd.f32 v12, v5  }
0x89: {  	v14 =	vld [tilespmem:s26+$0x5480];
	v4 =	vadd.f32 v10, v4  }
0x8a: {  	v15 =	vld [tilespmem:s26+$0x5490];
	v3 =	vadd.f32 v6, v3  }
.Ltmp4:
0x8b: {  	v12 =	vld [tilespmem:s26+$0x54A0];
	v1 =	vadd.f32 v7, v1;
	(pc) =	sbr.rel @p1 .LBB2_7-.Ltmp4, $4  }
0x8c: {  	v10 =	vld [tilespmem:s26+$0x54B0];
	v0 =	vadd.f32 v11, v0  }
0x8d: {  	v6 =	vld [tilespmem:s26+$0x54C0];
	v2 =	vadd.f32 v13, v2  }
0x8e: {  	v8 =	vadd.f32 v14, v8;
	v7 =	vld [tilespmem:s26+$0x54D0]  }
0x8f: {  	v9 =	vadd.f32 v15, v9;
	v11 =	vld [tilespmem:s26+$0x54E0];
	s26 =	sshra.s32 s28, $0x2;
	s28 =	sadd.s32 $0x200, s28  }
0x90: {  	v14 =	vld [tilespmem:s26+$0x5480]  }
0x91: {  	v15 =	vld [tilespmem:s26+$0x5490]  }
0x92: {  	v16 =	vld [tilespmem:s26+$0x54A0]  }
0x93: {  	v17 =	vld [tilespmem:s26+$0x54B0]  }
0x94: {  	v18 =	vld [tilespmem:s26+$0x54C0]  }
0x95: {  	v5 =	vadd.f32 v12, v5;
	v12 =	vld [tilespmem:s26+$0x54D0];
	v8 =	vadd.f32 v14, v8  }
0x96: {  	v13 =	vld [tilespmem:s26+$0x54F0];
	v4 =	vadd.f32 v10, v4;
	v9 =	vadd.f32 v15, v9  }
0x97: {  	v10 =	vld [tilespmem:s26+$0x54E0];
	v3 =	vadd.f32 v6, v3;
	v5 =	vadd.f32 v16, v5;
	[tilespmem:s23+$0xF100] =	vst v8  }
0x98: {  	v1 =	vadd.f32 v7, v1;
	v4 =	vadd.f32 v17, v4;
	[tilespmem:s23+$0xF110] =	vst v9  }
0x99: {  	v3 =	vadd.f32 v18, v3;
	[tilespmem:s23+$0xF120] =	vst v5  }
0x9a: {  	v0 =	vadd.f32 v11, v0;
	v1 =	vadd.f32 v12, v1;
	[tilespmem:s23+$0xF130] =	vst v4  }
0x9b: {  	v2 =	vadd.f32 v13, v2;
	[tilespmem:s23+$0xF140] =	vst v3  }
0x9c: {  	v0 =	vadd.f32 v10, v0;
	[tilespmem:s23+$0xF150] =	vst v1  }
0x9d: {  	[tilespmem:s23+$0xF170] =	vst v2  }
0x9e: {  	[tilespmem:s23+$0xF160] =	vst v0  }
0x9f: {  	v8 =	vld [tilespmem:$0x6D00]  }
0xa0: {  	v9 =	vld [tilespmem:$0x6D10]  }
0xa1: {  	v5 =	vld [tilespmem:$0x6D20]  }
0xa2: {  	v4 =	vld [tilespmem:$0x6D30]  }
0xa3: {  	v3 =	vld [tilespmem:$0x6D40]  }
0xa4: {  	v1 =	vld [tilespmem:$0x6D50]  }
0xa5: {  	v0 =	vld [tilespmem:$0x6D60]  }
0xa6: {  	s29 =	simm.s32 $0x0;
	v2 =	vld [tilespmem:$0x6D70]  }
0xa7: {  	v7 =	vld [tilespmem:s29+$0x6DF0]  }
0xa8: {  	v11 =	vld [tilespmem:s29+$0x6D80]  }
0xa9: {  	v13 =	vld [tilespmem:s29+$0x6D90]  }
0xaa: {  	v12 =	vld [tilespmem:s29+$0x6DA0]  }
0xab: {  	v10 =	vld [tilespmem:s29+$0x6DB0]  }
0xac: {  	v6 =	vld [tilespmem:s29+$0x6DC0]  }
0xad: {  	v2 =	vadd.f32 v7, v2;
	v7 =	vld [tilespmem:s29+$0x6DD0]  }
0xae: {  	s28 =	simm.s32 $0x400;
	s26 =	simm.s32 $0x80;
	v8 =	vadd.f32 v11, v8;
	v9 =	vadd.f32 v13, v9;
	v11 =	vld [tilespmem:s29+$0x6DE0]  }
.LBB2_9:
0xaf: {  	p1 =	sne.s32 s28, $0x6000;
	v13 =	vld [tilespmem:s26+$0x6DF0];
	v5 =	vadd.f32 v12, v5  }
0xb0: {  	v14 =	vld [tilespmem:s26+$0x6D80];
	v4 =	vadd.f32 v10, v4  }
0xb1: {  	v15 =	vld [tilespmem:s26+$0x6D90];
	v3 =	vadd.f32 v6, v3  }
.Ltmp5:
0xb2: {  	v12 =	vld [tilespmem:s26+$0x6DA0];
	v1 =	vadd.f32 v7, v1;
	(pc) =	sbr.rel @p1 .LBB2_9-.Ltmp5, $4  }
0xb3: {  	v10 =	vld [tilespmem:s26+$0x6DB0];
	v0 =	vadd.f32 v11, v0  }
0xb4: {  	v6 =	vld [tilespmem:s26+$0x6DC0];
	v2 =	vadd.f32 v13, v2  }
0xb5: {  	v8 =	vadd.f32 v14, v8;
	v7 =	vld [tilespmem:s26+$0x6DD0]  }
0xb6: {  	v9 =	vadd.f32 v15, v9;
	v11 =	vld [tilespmem:s26+$0x6DE0];
	s26 =	sshra.s32 s28, $0x2;
	s28 =	sadd.s32 $0x200, s28  }
0xb7: {  	v14 =	vld [tilespmem:s26+$0x6D80]  }
0xb8: {  	v15 =	vld [tilespmem:s26+$0x6D90]  }
0xb9: {  	v16 =	vld [tilespmem:s26+$0x6DA0]  }
0xba: {  	v17 =	vld [tilespmem:s26+$0x6DB0]  }
0xbb: {  	v18 =	vld [tilespmem:s26+$0x6DC0]  }
0xbc: {  	v5 =	vadd.f32 v12, v5;
	v12 =	vld [tilespmem:s26+$0x6DD0];
	v8 =	vadd.f32 v14, v8  }
0xbd: {  	v13 =	vld [tilespmem:s26+$0x6DF0];
	v4 =	vadd.f32 v10, v4;
	v9 =	vadd.f32 v15, v9  }
0xbe: {  	v10 =	vld [tilespmem:s26+$0x6DE0];
	v3 =	vadd.f32 v6, v3;
	v5 =	vadd.f32 v16, v5;
	[tilespmem:s23+$0xF180] =	vst v8  }
0xbf: {  	v1 =	vadd.f32 v7, v1;
	v4 =	vadd.f32 v17, v4;
	[tilespmem:s23+$0xF190] =	vst v9  }
0xc0: {  	v3 =	vadd.f32 v18, v3;
	[tilespmem:s23+$0xF1A0] =	vst v5  }
0xc1: {  	v0 =	vadd.f32 v11, v0;
	v1 =	vadd.f32 v12, v1;
	[tilespmem:s23+$0xF1B0] =	vst v4  }
0xc2: {  	v2 =	vadd.f32 v13, v2;
	[tilespmem:s23+$0xF1C0] =	vst v3  }
0xc3: {  	v0 =	vadd.f32 v10, v0;
	[tilespmem:s23+$0xF1D0] =	vst v1  }
0xc4: {  	[tilespmem:s23+$0xF1F0] =	vst v2  }
0xc5: {  	s28 =	simm.s32 @!p0 $0x64;
	s29 =	simm.s32 @!p0 $0x5400;
	s26 =	sadd.s32 @!p0 $0x280, s25;
	[tilespmem:s23+$0xF1E0] =	vst v0  }
0xc6: {  	[tilespmem:s29], [sflag:$0x2] =	stream.indirect.gather @!p0 [hbm4b:s2+s28], $0x80, s26, s28, $0xb8;
	[tilespmem:$0x13000] =	vst v63  }
0xc7: {  	_ =	swait.ge [sflag:s18], $0x3200  }
0xc8: {  	[sflag:s18] =	ssyncset.done $0x0  }
0xc9: {  	[sflag:s18] =	ssyncadd.s32 $0xFFFFCE00  }
0xca: {  	v8 =	vld [tilespmem:$0x8800]  }
0xcb: {  	v9 =	vld [tilespmem:$0x8810]  }
0xcc: {  	v5 =	vld [tilespmem:$0x8820]  }
0xcd: {  	v4 =	vld [tilespmem:$0x8830]  }
0xce: {  	v3 =	vld [tilespmem:$0x8840]  }
0xcf: {  	v1 =	vld [tilespmem:$0x8850]  }
0xd0: {  	v0 =	vld [tilespmem:$0x8860]  }
0xd1: {  	s31 =	simm.s32 $0x0;
	v2 =	vld [tilespmem:$0x8870]  }
0xd2: {  	v7 =	vld [tilespmem:s31+$0x88F0]  }
0xd3: {  	v11 =	vld [tilespmem:s31+$0x8880]  }
0xd4: {  	v13 =	vld [tilespmem:s31+$0x8890]  }
0xd5: {  	v12 =	vld [tilespmem:s31+$0x88A0]  }
0xd6: {  	v10 =	vld [tilespmem:s31+$0x88B0]  }
0xd7: {  	v6 =	vld [tilespmem:s31+$0x88C0]  }
0xd8: {  	v2 =	vadd.f32 v7, v2;
	v7 =	vld [tilespmem:s31+$0x88D0]  }
0xd9: {  	s26 =	simm.s32 $0x80;
	s28 =	simm.s32 $0x400;
	v8 =	vadd.f32 v11, v8;
	v9 =	vadd.f32 v13, v9;
	v11 =	vld [tilespmem:s31+$0x88E0]  }
.LBB2_11:
0xda: {  	p1 =	sne.s32 s28, $0x6000;
	v13 =	vld [tilespmem:s26+$0x88F0];
	v5 =	vadd.f32 v12, v5  }
0xdb: {  	v14 =	vld [tilespmem:s26+$0x8880];
	v4 =	vadd.f32 v10, v4  }
0xdc: {  	v15 =	vld [tilespmem:s26+$0x8890];
	v3 =	vadd.f32 v6, v3  }
.Ltmp6:
0xdd: {  	v12 =	vld [tilespmem:s26+$0x88A0];
	v1 =	vadd.f32 v7, v1;
	(pc) =	sbr.rel @p1 .LBB2_11-.Ltmp6, $4  }
0xde: {  	v10 =	vld [tilespmem:s26+$0x88B0];
	v0 =	vadd.f32 v11, v0  }
0xdf: {  	v6 =	vld [tilespmem:s26+$0x88C0];
	v2 =	vadd.f32 v13, v2  }
0xe0: {  	v8 =	vadd.f32 v14, v8;
	v7 =	vld [tilespmem:s26+$0x88D0]  }
0xe1: {  	v9 =	vadd.f32 v15, v9;
	v11 =	vld [tilespmem:s26+$0x88E0];
	s26 =	sshra.s32 s28, $0x2;
	s28 =	sadd.s32 $0x200, s28  }
0xe2: {  	v14 =	vld [tilespmem:s26+$0x8880]  }
0xe3: {  	v15 =	vld [tilespmem:s26+$0x8890]  }
0xe4: {  	v16 =	vld [tilespmem:s26+$0x88A0]  }
0xe5: {  	v17 =	vld [tilespmem:s26+$0x88B0]  }
0xe6: {  	v18 =	vld [tilespmem:s26+$0x88C0]  }
0xe7: {  	v5 =	vadd.f32 v12, v5;
	v12 =	vld [tilespmem:s26+$0x88D0];
	v8 =	vadd.f32 v14, v8  }
0xe8: {  	v13 =	vld [tilespmem:s26+$0x88F0];
	v4 =	vadd.f32 v10, v4;
	v9 =	vadd.f32 v15, v9  }
0xe9: {  	v10 =	vld [tilespmem:s26+$0x88E0];
	v3 =	vadd.f32 v6, v3;
	v5 =	vadd.f32 v16, v5;
	[tilespmem:s23+$0xF200] =	vst v8  }
0xea: {  	v1 =	vadd.f32 v7, v1;
	v4 =	vadd.f32 v17, v4;
	[tilespmem:s23+$0xF210] =	vst v9  }
0xeb: {  	v3 =	vadd.f32 v18, v3;
	[tilespmem:s23+$0xF220] =	vst v5  }
0xec: {  	v0 =	vadd.f32 v11, v0;
	v1 =	vadd.f32 v12, v1;
	[tilespmem:s23+$0xF230] =	vst v4  }
0xed: {  	v2 =	vadd.f32 v13, v2;
	[tilespmem:s23+$0xF240] =	vst v3  }
0xee: {  	v0 =	vadd.f32 v10, v0;
	[tilespmem:s23+$0xF250] =	vst v1  }
0xef: {  	[tilespmem:s23+$0xF270] =	vst v2  }
0xf0: {  	[tilespmem:s23+$0xF260] =	vst v0  }
0xf1: {  	v8 =	vld [tilespmem:$0xA100]  }
0xf2: {  	v9 =	vld [tilespmem:$0xA110]  }
0xf3: {  	v5 =	vld [tilespmem:$0xA120]  }
0xf4: {  	v4 =	vld [tilespmem:$0xA130]  }
0xf5: {  	v3 =	vld [tilespmem:$0xA140]  }
0xf6: {  	v1 =	vld [tilespmem:$0xA150]  }
0xf7: {  	v0 =	vld [tilespmem:$0xA160]  }
0xf8: {  	s29 =	simm.s32 $0x0;
	v2 =	vld [tilespmem:$0xA170]  }
0xf9: {  	v7 =	vld [tilespmem:s29+$0xA1F0]  }
0xfa: {  	v11 =	vld [tilespmem:s29+$0xA180]  }
0xfb: {  	v13 =	vld [tilespmem:s29+$0xA190]  }
0xfc: {  	v12 =	vld [tilespmem:s29+$0xA1A0]  }
0xfd: {  	v10 =	vld [tilespmem:s29+$0xA1B0]  }
0xfe: {  	v6 =	vld [tilespmem:s29+$0xA1C0]  }
0xff: {  	v2 =	vadd.f32 v7, v2;
	v7 =	vld [tilespmem:s29+$0xA1D0]  }
0x100: {  	s28 =	simm.s32 $0x400;
	s26 =	simm.s32 $0x80;
	v8 =	vadd.f32 v11, v8;
	v9 =	vadd.f32 v13, v9;
	v11 =	vld [tilespmem:s29+$0xA1E0]  }
.LBB2_13:
0x101: {  	p1 =	sne.s32 s28, $0x6000;
	v13 =	vld [tilespmem:s26+$0xA1F0];
	v5 =	vadd.f32 v12, v5  }
0x102: {  	v14 =	vld [tilespmem:s26+$0xA180];
	v4 =	vadd.f32 v10, v4  }
0x103: {  	v15 =	vld [tilespmem:s26+$0xA190];
	v3 =	vadd.f32 v6, v3  }
.Ltmp7:
0x104: {  	v12 =	vld [tilespmem:s26+$0xA1A0];
	v1 =	vadd.f32 v7, v1;
	(pc) =	sbr.rel @p1 .LBB2_13-.Ltmp7, $4  }
0x105: {  	v10 =	vld [tilespmem:s26+$0xA1B0];
	v0 =	vadd.f32 v11, v0  }
0x106: {  	v6 =	vld [tilespmem:s26+$0xA1C0];
	v2 =	vadd.f32 v13, v2  }
0x107: {  	v8 =	vadd.f32 v14, v8;
	v7 =	vld [tilespmem:s26+$0xA1D0]  }
0x108: {  	v9 =	vadd.f32 v15, v9;
	v11 =	vld [tilespmem:s26+$0xA1E0];
	s26 =	sshra.s32 s28, $0x2;
	s28 =	sadd.s32 $0x200, s28  }
0x109: {  	v14 =	vld [tilespmem:s26+$0xA180]  }
0x10a: {  	v15 =	vld [tilespmem:s26+$0xA190]  }
0x10b: {  	v16 =	vld [tilespmem:s26+$0xA1A0]  }
0x10c: {  	v17 =	vld [tilespmem:s26+$0xA1B0]  }
0x10d: {  	v18 =	vld [tilespmem:s26+$0xA1C0]  }
0x10e: {  	v5 =	vadd.f32 v12, v5;
	v12 =	vld [tilespmem:s26+$0xA1D0];
	v8 =	vadd.f32 v14, v8  }
0x10f: {  	v13 =	vld [tilespmem:s26+$0xA1F0];
	v4 =	vadd.f32 v10, v4;
	v9 =	vadd.f32 v15, v9  }
0x110: {  	v10 =	vld [tilespmem:s26+$0xA1E0];
	v3 =	vadd.f32 v6, v3;
	v5 =	vadd.f32 v16, v5;
	[tilespmem:s23+$0xF280] =	vst v8  }
0x111: {  	v1 =	vadd.f32 v7, v1;
	v4 =	vadd.f32 v17, v4;
	[tilespmem:s23+$0xF290] =	vst v9  }
0x112: {  	v3 =	vadd.f32 v18, v3;
	[tilespmem:s23+$0xF2A0] =	vst v5  }
0x113: {  	v0 =	vadd.f32 v11, v0;
	v1 =	vadd.f32 v12, v1;
	[tilespmem:s23+$0xF2B0] =	vst v4  }
0x114: {  	v2 =	vadd.f32 v13, v2;
	[tilespmem:s23+$0xF2C0] =	vst v3  }
0x115: {  	v0 =	vadd.f32 v10, v0;
	[tilespmem:s23+$0xF2D0] =	vst v1  }
0x116: {  	[tilespmem:s23+$0xF2F0] =	vst v2  }
0x117: {  	s25 =	sadd.s32 @!p0 $0x300, s25;
	s28 =	simm.s32 @!p0 $0x8800;
	s26 =	simm.s32 @!p0 $0x64;
	[tilespmem:s23+$0xF2E0] =	vst v0  }
0x118: {  	[tilespmem:s28], [sflag:$0x3] =	stream.indirect.gather @!p0 [hbm4b:s2+s26], $0x80, s25, s26, $0xb8;
	[tilespmem:$0x13000] =	vst v63  }
0x119: {  	_ =	swait.ge [sflag:s19], $0x3200  }
0x11a: {  	[sflag:s19] =	ssyncset.done $0x0  }
0x11b: {  	[sflag:s19] =	ssyncadd.s32 $0xFFFFCE00  }
0x11c: {  	v8 =	vld [tilespmem:$0xBC00]  }
0x11d: {  	v9 =	vld [tilespmem:$0xBC10]  }
0x11e: {  	v5 =	vld [tilespmem:$0xBC20]  }
0x11f: {  	v4 =	vld [tilespmem:$0xBC30]  }
0x120: {  	v3 =	vld [tilespmem:$0xBC40]  }
0x121: {  	v1 =	vld [tilespmem:$0xBC50]  }
0x122: {  	v0 =	vld [tilespmem:$0xBC60]  }
0x123: {  	s31 =	simm.s32 $0x0;
	v2 =	vld [tilespmem:$0xBC70]  }
0x124: {  	v7 =	vld [tilespmem:s31+$0xBCF0]  }
0x125: {  	v11 =	vld [tilespmem:s31+$0xBC80]  }
0x126: {  	v13 =	vld [tilespmem:s31+$0xBC90]  }
0x127: {  	v12 =	vld [tilespmem:s31+$0xBCA0]  }
0x128: {  	v10 =	vld [tilespmem:s31+$0xBCB0]  }
0x129: {  	v6 =	vld [tilespmem:s31+$0xBCC0]  }
0x12a: {  	v2 =	vadd.f32 v7, v2;
	v7 =	vld [tilespmem:s31+$0xBCD0]  }
0x12b: {  	s25 =	simm.s32 $0x80;
	s26 =	simm.s32 $0x400;
	v8 =	vadd.f32 v11, v8;
	v9 =	vadd.f32 v13, v9;
	v11 =	vld [tilespmem:s31+$0xBCE0]  }
.LBB2_15:
0x12c: {  	p1 =	sne.s32 s26, $0x6000;
	v13 =	vld [tilespmem:s25+$0xBCF0];
	v5 =	vadd.f32 v12, v5  }
0x12d: {  	v14 =	vld [tilespmem:s25+$0xBC80];
	v4 =	vadd.f32 v10, v4  }
0x12e: {  	v15 =	vld [tilespmem:s25+$0xBC90];
	v3 =	vadd.f32 v6, v3  }
.Ltmp8:
0x12f: {  	v12 =	vld [tilespmem:s25+$0xBCA0];
	v1 =	vadd.f32 v7, v1;
	(pc) =	sbr.rel @p1 .LBB2_15-.Ltmp8, $4  }
0x130: {  	v10 =	vld [tilespmem:s25+$0xBCB0];
	v0 =	vadd.f32 v11, v0  }
0x131: {  	v6 =	vld [tilespmem:s25+$0xBCC0];
	v2 =	vadd.f32 v13, v2  }
0x132: {  	v8 =	vadd.f32 v14, v8;
	v7 =	vld [tilespmem:s25+$0xBCD0]  }
0x133: {  	v9 =	vadd.f32 v15, v9;
	v11 =	vld [tilespmem:s25+$0xBCE0];
	s25 =	sshra.s32 s26, $0x2;
	s26 =	sadd.s32 $0x200, s26  }
0x134: {  	v14 =	vld [tilespmem:s25+$0xBC80]  }
0x135: {  	v15 =	vld [tilespmem:s25+$0xBC90]  }
0x136: {  	v16 =	vld [tilespmem:s25+$0xBCA0]  }
0x137: {  	v17 =	vld [tilespmem:s25+$0xBCB0]  }
0x138: {  	v18 =	vld [tilespmem:s25+$0xBCC0]  }
0x139: {  	v5 =	vadd.f32 v12, v5;
	v12 =	vld [tilespmem:s25+$0xBCD0];
	v8 =	vadd.f32 v14, v8  }
0x13a: {  	v13 =	vld [tilespmem:s25+$0xBCF0];
	v4 =	vadd.f32 v10, v4;
	v9 =	vadd.f32 v15, v9  }
0x13b: {  	v10 =	vld [tilespmem:s25+$0xBCE0];
	v3 =	vadd.f32 v6, v3;
	v5 =	vadd.f32 v16, v5;
	[tilespmem:s23+$0xF300] =	vst v8  }
0x13c: {  	v1 =	vadd.f32 v7, v1;
	v4 =	vadd.f32 v17, v4;
	[tilespmem:s23+$0xF310] =	vst v9  }
0x13d: {  	v3 =	vadd.f32 v18, v3;
	[tilespmem:s23+$0xF320] =	vst v5  }
0x13e: {  	v0 =	vadd.f32 v11, v0;
	v1 =	vadd.f32 v12, v1;
	[tilespmem:s23+$0xF330] =	vst v4  }
0x13f: {  	v2 =	vadd.f32 v13, v2;
	[tilespmem:s23+$0xF340] =	vst v3  }
0x140: {  	v0 =	vadd.f32 v10, v0;
	[tilespmem:s23+$0xF350] =	vst v1  }
0x141: {  	[tilespmem:s23+$0xF370] =	vst v2  }
0x142: {  	[tilespmem:s23+$0xF360] =	vst v0  }
0x143: {  	v8 =	vld [tilespmem:$0xD500]  }
0x144: {  	v9 =	vld [tilespmem:$0xD510]  }
0x145: {  	v5 =	vld [tilespmem:$0xD520]  }
0x146: {  	v4 =	vld [tilespmem:$0xD530]  }
0x147: {  	v3 =	vld [tilespmem:$0xD540]  }
0x148: {  	v1 =	vld [tilespmem:$0xD550]  }
0x149: {  	v0 =	vld [tilespmem:$0xD560]  }
0x14a: {  	s28 =	simm.s32 $0x0;
	v2 =	vld [tilespmem:$0xD570]  }
0x14b: {  	v7 =	vld [tilespmem:s28+$0xD5F0]  }
0x14c: {  	v11 =	vld [tilespmem:s28+$0xD580]  }
0x14d: {  	v13 =	vld [tilespmem:s28+$0xD590]  }
0x14e: {  	v12 =	vld [tilespmem:s28+$0xD5A0]  }
0x14f: {  	v10 =	vld [tilespmem:s28+$0xD5B0]  }
0x150: {  	v6 =	vld [tilespmem:s28+$0xD5C0]  }
0x151: {  	v2 =	vadd.f32 v7, v2;
	v7 =	vld [tilespmem:s28+$0xD5D0]  }
0x152: {  	s26 =	simm.s32 $0x400;
	s25 =	simm.s32 $0x80;
	v8 =	vadd.f32 v11, v8;
	v9 =	vadd.f32 v13, v9;
	v11 =	vld [tilespmem:s28+$0xD5E0]  }
.LBB2_17:
0x153: {  	p1 =	sne.s32 s26, $0x6000;
	v13 =	vld [tilespmem:s25+$0xD5F0];
	v5 =	vadd.f32 v12, v5  }
0x154: {  	v14 =	vld [tilespmem:s25+$0xD580];
	v4 =	vadd.f32 v10, v4  }
0x155: {  	v15 =	vld [tilespmem:s25+$0xD590];
	v3 =	vadd.f32 v6, v3  }
.Ltmp9:
0x156: {  	v12 =	vld [tilespmem:s25+$0xD5A0];
	v1 =	vadd.f32 v7, v1;
	(pc) =	sbr.rel @p1 .LBB2_17-.Ltmp9, $4  }
0x157: {  	v10 =	vld [tilespmem:s25+$0xD5B0];
	v0 =	vadd.f32 v11, v0  }
0x158: {  	v6 =	vld [tilespmem:s25+$0xD5C0];
	v2 =	vadd.f32 v13, v2  }
0x159: {  	v8 =	vadd.f32 v14, v8;
	v7 =	vld [tilespmem:s25+$0xD5D0]  }
0x15a: {  	v9 =	vadd.f32 v15, v9;
	v11 =	vld [tilespmem:s25+$0xD5E0];
	s25 =	sshra.s32 s26, $0x2;
	s26 =	sadd.s32 $0x200, s26  }
0x15b: {  	v14 =	vld [tilespmem:s25+$0xD580]  }
0x15c: {  	v15 =	vld [tilespmem:s25+$0xD590]  }
0x15d: {  	v16 =	vld [tilespmem:s25+$0xD5A0]  }
0x15e: {  	v17 =	vld [tilespmem:s25+$0xD5B0]  }
0x15f: {  	v18 =	vld [tilespmem:s25+$0xD5C0]  }
0x160: {  	v5 =	vadd.f32 v12, v5;
	v62 =	vld [tilespmem:s25+$0xD5D0];
	v8 =	vadd.f32 v14, v8  }
0x161: {  	v13 =	vld [tilespmem:s25+$0xD5F0];
	v4 =	vadd.f32 v10, v4;
	v9 =	vadd.f32 v15, v9  }
0x162: {  	v63 =	vld [tilespmem:s25+$0xD5E0];
	v3 =	vadd.f32 v6, v3;
	v5 =	vadd.f32 v16, v5;
	[tilespmem:s23+$0xF380] =	vst v8  }
0x163: {  	v1 =	vadd.f32 v7, v1;
	v4 =	vadd.f32 v17, v4;
	[tilespmem:s23+$0xF390] =	vst v9  }
0x164: {  	v3 =	vadd.f32 v18, v3;
	[tilespmem:s23+$0xF3A0] =	vst v5  }
.Ltmp10:
0x165: {  	v0 =	vadd.f32 v11, v0;
	v1 =	vadd.f32 v62, v1;
	[tilespmem:s23+$0xF3B0] =	vst v4;
	(pc) =	sbr.rel @p0 .LBB2_20-.Ltmp10, $4  }
0x166: {  	v2 =	vadd.f32 v13, v2;
	[tilespmem:s23+$0xF3C0] =	vst v3  }
0x167: {  	v0 =	vadd.f32 v63, v0;
	[tilespmem:s23+$0xF3D0] =	vst v1  }
0x168: {  	[tilespmem:s23+$0xF3F0] =	vst v2  }
0x169: {  	[tilespmem:s23+$0xF3E0] =	vst v0  }
.Ltmp11:
0x16a: {  	(pc) =	sbr.rel .LBB2_2-.Ltmp11, $4  }
0x16b: {  	_ = 	snop  }
0x16c: {  	s23 =	sshrl.u32 s24, $0x2  }
0x16d: {  	s22 =	sadd.s32 $0x1, s22;
	s23 =	sadd.s32 $0x380, s23  }
0x16e: {  	[tilespmem:s15], [sflag:$0x4] =	stream.indirect.gather [hbm4b:s2+s8], $0x80, s23, s8, $0xb8;
	[tilespmem:$0x13000] =	vst v63  }
.LBB2_21:
0x16f: {  	_ =	sfence.sel $0x180000  }
0x170: {  	[bflag:$0x0] =	sbarrier.arrive $0xFFFF  }
0x171: {  	p0 =	sne.s32 s1, $0x0;
	_ =	strace $0x90000047  }
0x172: {  	s0 =	sadd.s32 @!p0 $0x100000, s0;
	[bflag:$0x2] =	sbarrier.arrive $0xFFFF  }
0x173: {  	[sflag:s0] =	ssyncadd.tile.s32 @!p0 $0x1;
	_ =	shalt  }
.Lfunc_end2:
_tile_overlayer_lowered:
.L_overlay_start_2:
0x174: {  	(tag) =	ssettag $0x2  }
0x175: {  	s0 =	rddreg [dreg:$0x0];
	s2 =	stileid.u32  }
0x176: {  	s1 =	rddreg [dreg:$0x1];
	p0 =	sne.s32 s2, $0x0  }
0x177: {  	s3 =	rddreg [dreg:$0x2];
	[bflag:$0x3] =	sbarrier.arrive $0xFFFF;
	s2 =	simm.s32 @!p0 $0x1C05  }
0x178: {  	[timem:s3], [sflag:s2] =	dma.local @!p0 [hbm:s0], s1  }
0x179: {  	s0 =	simm.s32 @!p0 $0x5  }
0x17a: {  	_ =	swait.ge @!p0 [sflag:s0], s1  }
0x17b: {  	s1 =	ssub.s32 @!p0 $0x0, s1;
	[sflag:s0] =	ssyncset.done @!p0 $0x0  }
0x17c: {  	[sflag:s0] =	ssyncadd.s32 @!p0 s1  }
0x17d: {  	[bflag:$0x3] =	sbarrier.arrive $0xFFFF  }
0x17e: {  	_ =	shalt  }

</sc_bundles>
